<compile_context>
chip_gen: v7x
topology: tpu7x:2x2x1
jax: 0.10.2.dev20260603
libtpu: 0.0.44.dev20260713+nightly
codegen_flags: <defaults>
</compile_context>

<pallas_src>
import functools

import jax
import jax.numpy as jnp
from jax import lax
from jax.experimental import pallas as pl
from jax.experimental.pallas import tpu as pltpu
from jax.experimental.pallas import tpu_sc as plsc

N_CODES = 1024
N_ROWS = 131072
D = 256

_info = plsc.get_sparse_core_info()
NC, NS = _info.num_cores, _info.num_subcores
NW = NC * NS
TPR = D // NW
CH = 4096
NCH = N_ROWS // CH
CT = CH // 128
L = 16


def _body(tab_hbm, codes_hbm, out_hbm, tab_v, codes_v, out_v, codes_sh,
          csem, osem):
    sid = lax.axis_index("s")
    wid = sid * NC + lax.axis_index("c")
    r0 = wid * TPR

    @pl.when(sid == 0)
    def _():
        pltpu.sync_copy(codes_hbm, codes_sh)

    pltpu.sync_copy(tab_hbm.at[pl.ds(r0, TPR)], tab_v)
    plsc.subcore_barrier()

    def codes_start(c, slot):
        pltpu.async_copy(codes_sh.at[pl.ds(c * CH, CH)], codes_v.at[slot], csem)

    def codes_wait(slot):
        pltpu.make_async_copy(
            codes_sh.at[pl.ds(0, CH)], codes_v.at[slot], csem).wait()

    def out_start(c, slot):
        pltpu.async_copy(
            out_v.at[slot], out_hbm.at[wid, pl.ds(c * CT, CT)], osem)

    def out_wait(slot):
        pltpu.make_async_copy(
            out_v.at[slot], out_hbm.at[wid, pl.ds(0, CT)], osem).wait()

    codes_start(0, 0)

    row_idx = [jnp.full((L,), r, jnp.int32) for r in range(TPR)]

    def chunk(c, carry):
        slot = lax.rem(c, 2)
        codes_wait(slot)

        @pl.when(c + 1 < NCH)
        def _():
            codes_start(c + 1, lax.rem(c + 1, 2))

        @pl.when(c >= 2)
        def _():
            out_wait(slot)

        @plsc.parallel_loop(0, CH // L, unroll=8)
        def _(v):
            off = pl.multiple_of(v * L, L)
            t = lax.div(v, 8)
            u = pl.multiple_of(lax.rem(v, 8) * L, L)
            cvec = codes_v[slot, pl.ds(off, L)]
            for r in range(TPR):
                vec = plsc.load_gather(tab_v, [row_idx[r], cvec])
                out_v[slot, t, r, pl.ds(u, L)] = vec

        out_start(c, slot)
        return carry

    lax.fori_loop(0, NCH, chunk, 0)
    out_wait(0)
    out_wait(1)


def _dequant(tab2, codes):
    run = functools.partial(
        pl.kernel,
        mesh=plsc.VectorSubcoreMesh(core_axis_name="c", subcore_axis_name="s"),
        out_type=jax.ShapeDtypeStruct((D // 8, N_ROWS // 128, 8, 128),
                                      jnp.float32),
        scratch_types=[
            pltpu.VMEM((TPR, N_CODES), jnp.float32),
            pltpu.VMEM((2, CH), jnp.int32),
            pltpu.VMEM((2, CT, 8, 128), jnp.float32),
            pltpu.VMEM_SHARED((N_ROWS,), jnp.int32),
            pltpu.SemaphoreType.DMA,
            pltpu.SemaphoreType.DMA,
        ],
        compiler_params=pltpu.CompilerParams(needs_layout_passes=False),
    )(_body)
    return run(tab2, codes)


def kernel(quantized, codes):
    n_codes, t0, t1 = quantized.shape
    tab2 = quantized.transpose(1, 2, 0).reshape(t0 * t1, n_codes)
    out4 = _dequant(tab2, codes)
    out = out4.reshape(t0, t1 // 8, N_ROWS // 128, 8, 128)
    out = out.transpose(2, 4, 0, 1, 3)
    return out.reshape(N_ROWS, t0, t1)

# --- scband reference (transcript-rebuilt; emitter-appended) ---
"""Pipeline reference for scband-dequantization-56083682951666 (READ-ONLY COPY).

The authoritative reference and input builder live on the scoring server;
editing this copy changes nothing except your own understanding.
"""

import jax, jax.numpy as jnp
import numpy as np

N_CODES = 1024
N_ROWS = 131072
TRAILING = (16, 16)


def setup_inputs(seed: int = 0) -> dict:
    key = jax.random.key(seed)
    k1, k2 = jax.random.split(key)
    quantized = jax.random.normal(k1, (N_CODES, *TRAILING), dtype=jnp.float32)
    codes = jax.random.randint(k2, (N_ROWS,), 0, N_CODES, dtype=jnp.int32)
    return {"quantized": quantized, "codes": codes}


def reference(quantized, codes):
    # Dequantization.__call__: expand per-code quantized states back to the
    # full original data by gathering codebook rows with the stored codes,
    # then reshape to the original trailing shape (ArrayQuantizer.reshape_out).
    trailing_shape = quantized.shape[1:]
    # _reshape_in: flatten quantized states to 2D (n_codes, code_dim)
    q2d = quantized.reshape(quantized.shape[0], -1)
    # gather: full[i] = q2d[codes[i]]
    full = jnp.take(q2d, codes, axis=0)
    # reshape_out: restore trailing shape
    return full.reshape((-1, *trailing_shape))

if __name__ == "__main__":
    import jax
    _d = setup_inputs()
    print(jax.jit(kernel)(*tuple(_d.values())))

</pallas_src>

<mosaic_0001>
#map = affine_map<(d0, d1) -> (0, 0)>
#map1 = affine_map<(d0, d1) -> (0)>
#map2 = affine_map<(d0, d1) -> (0, 0, 0, 0)>
module attributes {stable_mosaic.version = 14 : i64} {
  func.func @_body(%arg0: i32, %arg1: i32, %arg2: memref<256x1024xf32, #tpu.memory_space<hbm>>, %arg3: memref<131072xi32, #tpu.memory_space<hbm>>, %arg4: memref<32x1024x8x128xf32, #tpu.memory_space<hbm>>, %arg5: memref<8x1024xf32, #tpu.memory_space<vmem>>, %arg6: memref<2x4096xi32, #tpu.memory_space<vmem>>, %arg7: memref<2x32x8x128xf32, #tpu.memory_space<vmem>>, %arg8: memref<131072xi32, #tpu.memory_space<vmem_shared>>, %arg9: memref<!tpu.dma_semaphore, #tpu.memory_space<semaphore_mem>>, %arg10: memref<!tpu.dma_semaphore, #tpu.memory_space<semaphore_mem>>) attributes {dimension_semantics = [#tpu.dimension_semantics<core_parallel>, #tpu.dimension_semantics<subcore_parallel>], iteration_bounds = array<i64: 2, 16>, scalar_prefetch = 0 : i64, scratch_operands = 6 : i64, tpu.core_type = #tpu.core_type<sc_vector_subcore>, window_params = [{transform_indices = #map}, {transform_indices = #map1}, {transform_indices = #map2}]} {
    %mul3A = arith.constant 2 : i32
    %mul3A_0 = arith.muli %arg1, %mul3A : i32
    %add3A = arith.addi %mul3A_0, %arg0 : i32
    %mul3A_1 = arith.constant 8 : i32
    %mul3A_2 = arith.muli %add3A, %mul3A_1 : i32
    %eq3A = arith.constant 0 : i32
    %eq3A_3 = arith.cmpi eq, %arg1, %eq3A : i32
    %convert_element_type3A = arith.extui %eq3A_3 : i1 to i32
    %cond3A = arith.constant 0 : i32
    %cond3A_4 = arith.cmpi ne, %convert_element_type3A, %cond3A : i32
    scf.if %cond3A_4 {
      "tpu.region"() ({
        %run_scoped3A = tpu.sem_alloc : memref<!tpu.dma_semaphore, #tpu.memory_space<semaphore_mem>>
        tpu.enqueue_dma source(%arg3 : memref<131072xi32, #tpu.memory_space<hbm>>) target(%arg8 : memref<131072xi32, #tpu.memory_space<vmem_shared>>) target_semaphore(%run_scoped3A : memref<!tpu.dma_semaphore, #tpu.memory_space<semaphore_mem>>)
        tpu.wait_dma2 semaphore(%run_scoped3A : memref<!tpu.dma_semaphore, #tpu.memory_space<semaphore_mem>>) src(%arg3 : memref<131072xi32, #tpu.memory_space<hbm>>) dst(%arg8 : memref<131072xi32, #tpu.memory_space<vmem_shared>>)
        tpu.yield
      }) : () -> ()
    } else {
    }
    "tpu.region"() ({
      %run_scoped3A = tpu.sem_alloc : memref<!tpu.dma_semaphore, #tpu.memory_space<semaphore_mem>>
      %dma_start3A_76 = arith.constant 0 : i32
      %dma_start3A_77 = tpu.memref_slice %arg2[%mul3A_2, %dma_start3A_76] : memref<256x1024xf32, #tpu.memory_space<hbm>> -> memref<8x1024xf32, #tpu.memory_space<hbm>>
      %dma_start3A_78 = arith.constant 0 : i32
      %dma_start3A_79 = tpu.memref_slice %arg2[%mul3A_2, %dma_start3A_78] : memref<256x1024xf32, #tpu.memory_space<hbm>> -> memref<8x1024xf32, #tpu.memory_space<hbm>>
      tpu.enqueue_dma source(%dma_start3A_79 : memref<8x1024xf32, #tpu.memory_space<hbm>>) target(%arg5 : memref<8x1024xf32, #tpu.memory_space<vmem>>) target_semaphore(%run_scoped3A : memref<!tpu.dma_semaphore, #tpu.memory_space<semaphore_mem>>)
      %dma_wait3A_80 = arith.constant 0 : i32
      %dma_wait3A_81 = tpu.memref_slice %arg2[%mul3A_2, %dma_wait3A_80] : memref<256x1024xf32, #tpu.memory_space<hbm>> -> memref<8x1024xf32, #tpu.memory_space<hbm>>
      %dma_wait3A_82 = arith.constant 0 : i32
      %dma_wait3A_83 = tpu.memref_slice %arg2[%mul3A_2, %dma_wait3A_82] : memref<256x1024xf32, #tpu.memory_space<hbm>> -> memref<8x1024xf32, #tpu.memory_space<hbm>>
      tpu.wait_dma2 semaphore(%run_scoped3A : memref<!tpu.dma_semaphore, #tpu.memory_space<semaphore_mem>>) src(%dma_wait3A_83 : memref<8x1024xf32, #tpu.memory_space<hbm>>) dst(%arg5 : memref<8x1024xf32, #tpu.memory_space<vmem>>)
      tpu.yield
    }) : () -> ()
    %barrier3A = arith.constant 0 : index
    tpu.barrier barrier_id(%barrier3A)
    %dma_start3A = arith.constant 0 : i32
    %dma_start3A_5 = arith.constant 0 : i32
    %dma_start3A_6 = tpu.memref_slice %arg6[%dma_start3A, %dma_start3A_5] : memref<2x4096xi32, #tpu.memory_space<vmem>> -> memref<1x4096xi32, #tpu.memory_space<vmem>>
    %dma_start3A_7 = tpu.memref_squeeze %dma_start3A_6 : memref<1x4096xi32, #tpu.memory_space<vmem>> -> memref<4096xi32, #tpu.memory_space<vmem>>
    %dma_start3A_8 = arith.constant 0 : i32
    %dma_start3A_9 = tpu.memref_slice %arg8[%dma_start3A_8] : memref<131072xi32, #tpu.memory_space<vmem_shared>> -> memref<4096xi32, #tpu.memory_space<vmem_shared>>
    %dma_start3A_10 = arith.constant 0 : i32
    %dma_start3A_11 = tpu.memref_slice %arg6[%dma_start3A, %dma_start3A_10] : memref<2x4096xi32, #tpu.memory_space<vmem>> -> memref<1x4096xi32, #tpu.memory_space<vmem>>
    %dma_start3A_12 = tpu.memref_squeeze %dma_start3A_11 : memref<1x4096xi32, #tpu.memory_space<vmem>> -> memref<4096xi32, #tpu.memory_space<vmem>>
    %dma_start3A_13 = arith.constant 0 : i32
    %dma_start3A_14 = tpu.memref_slice %arg8[%dma_start3A_13] : memref<131072xi32, #tpu.memory_space<vmem_shared>> -> memref<4096xi32, #tpu.memory_space<vmem_shared>>
    tpu.enqueue_dma source(%dma_start3A_14 : memref<4096xi32, #tpu.memory_space<vmem_shared>>) target(%dma_start3A_12 : memref<4096xi32, #tpu.memory_space<vmem>>) target_semaphore(%arg9 : memref<!tpu.dma_semaphore, #tpu.memory_space<semaphore_mem>>)
    %broadcast_in_dim3A = arith.constant 0 : i32
    %broadcast_in_dim3A_15 = vector.broadcast %broadcast_in_dim3A : i32 to vector<16xi32>
    %broadcast_in_dim3A_16 = arith.constant 1 : i32
    %broadcast_in_dim3A_17 = vector.broadcast %broadcast_in_dim3A_16 : i32 to vector<16xi32>
    %broadcast_in_dim3A_18 = arith.constant 2 : i32
    %broadcast_in_dim3A_19 = vector.broadcast %broadcast_in_dim3A_18 : i32 to vector<16xi32>
    %broadcast_in_dim3A_20 = arith.constant 3 : i32
    %broadcast_in_dim3A_21 = vector.broadcast %broadcast_in_dim3A_20 : i32 to vector<16xi32>
    %broadcast_in_dim3A_22 = arith.constant 4 : i32
    %broadcast_in_dim3A_23 = vector.broadcast %broadcast_in_dim3A_22 : i32 to vector<16xi32>
    %broadcast_in_dim3A_24 = arith.constant 5 : i32
    %broadcast_in_dim3A_25 = vector.broadcast %broadcast_in_dim3A_24 : i32 to vector<16xi32>
    %broadcast_in_dim3A_26 = arith.constant 6 : i32
    %broadcast_in_dim3A_27 = vector.broadcast %broadcast_in_dim3A_26 : i32 to vector<16xi32>
    %broadcast_in_dim3A_28 = arith.constant 7 : i32
    %broadcast_in_dim3A_29 = vector.broadcast %broadcast_in_dim3A_28 : i32 to vector<16xi32>
    %scan3A = arith.constant 0 : i32
    %scan3A_30 = arith.constant 0 : i32
    %scan3A_31 = arith.constant 32 : i32
    %scan3A_32 = arith.addi %scan3A_30, %scan3A_31 : i32
    %scan3A_33 = arith.constant 1 : i32
    scf.for %scan3A_76 = %scan3A_30 to %scan3A_32 step %scan3A_33  : i32 {
      %rem3A = arith.constant 2 : i32
      %rem3A_77 = arith.remsi %scan3A_76, %rem3A : i32
      %dma_wait3A_78 = arith.constant 0 : i32
      %dma_wait3A_79 = tpu.memref_slice %arg6[%rem3A_77, %dma_wait3A_78] : memref<2x4096xi32, #tpu.memory_space<vmem>> -> memref<1x4096xi32, #tpu.memory_space<vmem>>
      %dma_wait3A_80 = tpu.memref_squeeze %dma_wait3A_79 : memref<1x4096xi32, #tpu.memory_space<vmem>> -> memref<4096xi32, #tpu.memory_space<vmem>>
      %dma_wait3A_81 = arith.constant 0 : i32
      %dma_wait3A_82 = tpu.memref_slice %arg8[%dma_wait3A_81] : memref<131072xi32, #tpu.memory_space<vmem_shared>> -> memref<4096xi32, #tpu.memory_space<vmem_shared>>
      %dma_wait3A_83 = arith.constant 0 : i32
      %dma_wait3A_84 = tpu.memref_slice %arg6[%rem3A_77, %dma_wait3A_83] : memref<2x4096xi32, #tpu.memory_space<vmem>> -> memref<1x4096xi32, #tpu.memory_space<vmem>>
      %dma_wait3A_85 = tpu.memref_squeeze %dma_wait3A_84 : memref<1x4096xi32, #tpu.memory_space<vmem>> -> memref<4096xi32, #tpu.memory_space<vmem>>
      %dma_wait3A_86 = arith.constant 0 : i32
      %dma_wait3A_87 = tpu.memref_slice %arg8[%dma_wait3A_86] : memref<131072xi32, #tpu.memory_space<vmem_shared>> -> memref<4096xi32, #tpu.memory_space<vmem_shared>>
      tpu.wait_dma2 semaphore(%arg9 : memref<!tpu.dma_semaphore, #tpu.memory_space<semaphore_mem>>) src(%dma_wait3A_87 : memref<4096xi32, #tpu.memory_space<vmem_shared>>) dst(%dma_wait3A_85 : memref<4096xi32, #tpu.memory_space<vmem>>)
      %add3A_88 = arith.constant 1 : i32
      %add3A_89 = arith.addi %scan3A_76, %add3A_88 : i32
      %lt3A = arith.constant 32 : i32
      %lt3A_90 = arith.cmpi slt, %add3A_89, %lt3A : i32
      %convert_element_type3A_91 = arith.extui %lt3A_90 : i1 to i32
      %cond3A_92 = arith.constant 0 : i32
      %cond3A_93 = arith.cmpi ne, %convert_element_type3A_91, %cond3A_92 : i32
      scf.if %cond3A_93 {
        %add3A_120 = arith.constant 1 : i32
        %add3A_121 = arith.addi %scan3A_76, %add3A_120 : i32
        %add3A_122 = arith.constant 1 : i32
        %add3A_123 = arith.addi %scan3A_76, %add3A_122 : i32
        %rem3A_124 = arith.constant 2 : i32
        %rem3A_125 = arith.remsi %add3A_123, %rem3A_124 : i32
        %mul3A_126 = arith.constant 4096 : i32
        %mul3A_127 = arith.muli %add3A_121, %mul3A_126 : i32
        %dma_start3A_128 = arith.constant 0 : i32
        %dma_start3A_129 = tpu.memref_slice %arg6[%rem3A_125, %dma_start3A_128] : memref<2x4096xi32, #tpu.memory_space<vmem>> -> memref<1x4096xi32, #tpu.memory_space<vmem>>
        %dma_start3A_130 = tpu.memref_squeeze %dma_start3A_129 : memref<1x4096xi32, #tpu.memory_space<vmem>> -> memref<4096xi32, #tpu.memory_space<vmem>>
        %dma_start3A_131 = tpu.memref_slice %arg8[%mul3A_127] : memref<131072xi32, #tpu.memory_space<vmem_shared>> -> memref<4096xi32, #tpu.memory_space<vmem_shared>>
        %dma_start3A_132 = arith.constant 0 : i32
        %dma_start3A_133 = tpu.memref_slice %arg6[%rem3A_125, %dma_start3A_132] : memref<2x4096xi32, #tpu.memory_space<vmem>> -> memref<1x4096xi32, #tpu.memory_space<vmem>>
        %dma_start3A_134 = tpu.memref_squeeze %dma_start3A_133 : memref<1x4096xi32, #tpu.memory_space<vmem>> -> memref<4096xi32, #tpu.memory_space<vmem>>
        %dma_start3A_135 = tpu.memref_slice %arg8[%mul3A_127] : memref<131072xi32, #tpu.memory_space<vmem_shared>> -> memref<4096xi32, #tpu.memory_space<vmem_shared>>
        tpu.enqueue_dma source(%dma_start3A_135 : memref<4096xi32, #tpu.memory_space<vmem_shared>>) target(%dma_start3A_134 : memref<4096xi32, #tpu.memory_space<vmem>>) target_semaphore(%arg9 : memref<!tpu.dma_semaphore, #tpu.memory_space<semaphore_mem>>)
      } else {
      }
      %ge3A = arith.constant 2 : i32
      %ge3A_94 = arith.cmpi sge, %scan3A_76, %ge3A : i32
      %convert_element_type3A_95 = arith.extui %ge3A_94 : i1 to i32
      %cond3A_96 = arith.constant 0 : i32
      %cond3A_97 = arith.cmpi ne, %convert_element_type3A_95, %cond3A_96 : i32
      scf.if %cond3A_97 {
        %dma_wait3A_120 = arith.constant 0 : i32
        %dma_wait3A_121 = arith.constant 0 : i32
        %dma_wait3A_122 = arith.constant 0 : i32
        %dma_wait3A_123 = tpu.memref_slice %arg7[%rem3A_77, %dma_wait3A_120, %dma_wait3A_121, %dma_wait3A_122] : memref<2x32x8x128xf32, #tpu.memory_space<vmem>> -> memref<1x32x8x128xf32, #tpu.memory_space<vmem>>
        %dma_wait3A_124 = tpu.memref_squeeze %dma_wait3A_123 : memref<1x32x8x128xf32, #tpu.memory_space<vmem>> -> memref<32x8x128xf32, #tpu.memory_space<vmem>>
        %dma_wait3A_125 = arith.constant 0 : i32
        %dma_wait3A_126 = arith.constant 0 : i32
        %dma_wait3A_127 = arith.constant 0 : i32
        %dma_wait3A_128 = tpu.memref_slice %arg4[%add3A, %dma_wait3A_125, %dma_wait3A_126, %dma_wait3A_127] : memref<32x1024x8x128xf32, #tpu.memory_space<hbm>> -> memref<1x32x8x128xf32, #tpu.memory_space<hbm>>
        %dma_wait3A_129 = tpu.memref_squeeze %dma_wait3A_128 : memref<1x32x8x128xf32, #tpu.memory_space<hbm>> -> memref<32x8x128xf32, #tpu.memory_space<hbm>>
        %dma_wait3A_130 = arith.constant 0 : i32
        %dma_wait3A_131 = arith.constant 0 : i32
        %dma_wait3A_132 = arith.constant 0 : i32
        %dma_wait3A_133 = tpu.memref_slice %arg4[%add3A, %dma_wait3A_130, %dma_wait3A_131, %dma_wait3A_132] : memref<32x1024x8x128xf32, #tpu.memory_space<hbm>> -> memref<1x32x8x128xf32, #tpu.memory_space<hbm>>
        %dma_wait3A_134 = tpu.memref_squeeze %dma_wait3A_133 : memref<1x32x8x128xf32, #tpu.memory_space<hbm>> -> memref<32x8x128xf32, #tpu.memory_space<hbm>>
        %dma_wait3A_135 = arith.constant 0 : i32
        %dma_wait3A_136 = arith.constant 0 : i32
        %dma_wait3A_137 = arith.constant 0 : i32
        %dma_wait3A_138 = tpu.memref_slice %arg7[%rem3A_77, %dma_wait3A_135, %dma_wait3A_136, %dma_wait3A_137] : memref<2x32x8x128xf32, #tpu.memory_space<vmem>> -> memref<1x32x8x128xf32, #tpu.memory_space<vmem>>
        %dma_wait3A_139 = tpu.memref_squeeze %dma_wait3A_138 : memref<1x32x8x128xf32, #tpu.memory_space<vmem>> -> memref<32x8x128xf32, #tpu.memory_space<vmem>>
        tpu.wait_dma2 semaphore(%arg10 : memref<!tpu.dma_semaphore, #tpu.memory_space<semaphore_mem>>) src(%dma_wait3A_139 : memref<32x8x128xf32, #tpu.memory_space<vmem>>) dst(%dma_wait3A_134 : memref<32x8x128xf32, #tpu.memory_space<hbm>>)
      } else {
      }
      %parallel_loop3A = arith.constant 0 : i32
      %parallel_loop3A_98 = arith.constant 256 : i32
      %parallel_loop3A_99 = arith.constant 1 : i32
      scf.for %parallel_loop3A_120 = %parallel_loop3A to %parallel_loop3A_98 step %parallel_loop3A_99  : i32 {
        %parallel_loop3A_121 = arith.constant 16 : i32
        %parallel_loop3A_122 = arith.muli %parallel_loop3A_120, %parallel_loop3A_121 : i32
        %parallel_loop3A_123 = tpu.assume_multiple %parallel_loop3A_122, 16 : i32
        %parallel_loop3A_124 = arith.constant 8 : i32
        %parallel_loop3A_125 = arith.divsi %parallel_loop3A_120, %parallel_loop3A_124 : i32
        %parallel_loop3A_126 = arith.constant 8 : i32
        %parallel_loop3A_127 = arith.remsi %parallel_loop3A_120, %parallel_loop3A_126 : i32
        %parallel_loop3A_128 = arith.constant 16 : i32
        %parallel_loop3A_129 = arith.muli %parallel_loop3A_127, %parallel_loop3A_128 : i32
        %parallel_loop3A_130 = tpu.assume_multiple %parallel_loop3A_129, 16 : i32
        %parallel_loop3A_131 = arith.index_cast %rem3A_77 : i32 to index
        %parallel_loop3A_132 = arith.index_cast %parallel_loop3A_123 : i32 to index
        %parallel_loop3A_133 = tpu.vector_load %arg6[%parallel_loop3A_131, %parallel_loop3A_132] {strides = array<i32>} : memref<2x4096xi32, #tpu.memory_space<vmem>>, vector<16xi32>,
        %parallel_loop3A_134 = tpu.vector_load_idx %arg5[%broadcast_in_dim3A_15, %parallel_loop3A_133] : memref<8x1024xf32, #tpu.memory_space<vmem>>[vector<16xi32>, vector<16xi32>], vector<16xf32>,
        %parallel_loop3A_135 = arith.constant 0 : i32
        %parallel_loop3A_136 = arith.index_cast %rem3A_77 : i32 to index
        %parallel_loop3A_137 = arith.index_cast %parallel_loop3A_125 : i32 to index
        %parallel_loop3A_138 = arith.index_cast %parallel_loop3A_135 : i32 to index
        %parallel_loop3A_139 = arith.index_cast %parallel_loop3A_130 : i32 to index
        %parallel_loop3A_140 = tpu.vector_load %arg7[%parallel_loop3A_136, %parallel_loop3A_137, %parallel_loop3A_138, %parallel_loop3A_139] {strides = array<i32>} : memref<2x32x8x128xf32, #tpu.memory_space<vmem>>, vector<16xf32>,
        tpu.vector_store %arg7[%parallel_loop3A_136, %parallel_loop3A_137, %parallel_loop3A_138, %parallel_loop3A_139], %parallel_loop3A_134 {strides = array<i32>} : memref<2x32x8x128xf32, #tpu.memory_space<vmem>>, vector<16xf32>,
        %parallel_loop3A_141 = tpu.vector_load_idx %arg5[%broadcast_in_dim3A_17, %parallel_loop3A_133] : memref<8x1024xf32, #tpu.memory_space<vmem>>[vector<16xi32>, vector<16xi32>], vector<16xf32>,
        %parallel_loop3A_142 = arith.constant 1 : i32
        %parallel_loop3A_143 = arith.index_cast %rem3A_77 : i32 to index
        %parallel_loop3A_144 = arith.index_cast %parallel_loop3A_125 : i32 to index
        %parallel_loop3A_145 = arith.index_cast %parallel_loop3A_142 : i32 to index
        %parallel_loop3A_146 = arith.index_cast %parallel_loop3A_130 : i32 to index
        %parallel_loop3A_147 = tpu.vector_load %arg7[%parallel_loop3A_143, %parallel_loop3A_144, %parallel_loop3A_145, %parallel_loop3A_146] {strides = array<i32>} : memref<2x32x8x128xf32, #tpu.memory_space<vmem>>, vector<16xf32>,
        tpu.vector_store %arg7[%parallel_loop3A_143, %parallel_loop3A_144, %parallel_loop3A_145, %parallel_loop3A_146], %parallel_loop3A_141 {strides = array<i32>} : memref<2x32x8x128xf32, #tpu.memory_space<vmem>>, vector<16xf32>,
        %parallel_loop3A_148 = tpu.vector_load_idx %arg5[%broadcast_in_dim3A_19, %parallel_loop3A_133] : memref<8x1024xf32, #tpu.memory_space<vmem>>[vector<16xi32>, vector<16xi32>], vector<16xf32>,
        %parallel_loop3A_149 = arith.constant 2 : i32
        %parallel_loop3A_150 = arith.index_cast %rem3A_77 : i32 to index
        %parallel_loop3A_151 = arith.index_cast %parallel_loop3A_125 : i32 to index
        %parallel_loop3A_152 = arith.index_cast %parallel_loop3A_149 : i32 to index
        %parallel_loop3A_153 = arith.index_cast %parallel_loop3A_130 : i32 to index
        %parallel_loop3A_154 = tpu.vector_load %arg7[%parallel_loop3A_150, %parallel_loop3A_151, %parallel_loop3A_152, %parallel_loop3A_153] {strides = array<i32>} : memref<2x32x8x128xf32, #tpu.memory_space<vmem>>, vector<16xf32>,
        tpu.vector_store %arg7[%parallel_loop3A_150, %parallel_loop3A_151, %parallel_loop3A_152, %parallel_loop3A_153], %parallel_loop3A_148 {strides = array<i32>} : memref<2x32x8x128xf32, #tpu.memory_space<vmem>>, vector<16xf32>,
        %parallel_loop3A_155 = tpu.vector_load_idx %arg5[%broadcast_in_dim3A_21, %parallel_loop3A_133] : memref<8x1024xf32, #tpu.memory_space<vmem>>[vector<16xi32>, vector<16xi32>], vector<16xf32>,
        %parallel_loop3A_156 = arith.constant 3 : i32
        %parallel_loop3A_157 = arith.index_cast %rem3A_77 : i32 to index
        %parallel_loop3A_158 = arith.index_cast %parallel_loop3A_125 : i32 to index
        %parallel_loop3A_159 = arith.index_cast %parallel_loop3A_156 : i32 to index
        %parallel_loop3A_160 = arith.index_cast %parallel_loop3A_130 : i32 to index
        %parallel_loop3A_161 = tpu.vector_load %arg7[%parallel_loop3A_157, %parallel_loop3A_158, %parallel_loop3A_159, %parallel_loop3A_160] {strides = array<i32>} : memref<2x32x8x128xf32, #tpu.memory_space<vmem>>, vector<16xf32>,
        tpu.vector_store %arg7[%parallel_loop3A_157, %parallel_loop3A_158, %parallel_loop3A_159, %parallel_loop3A_160], %parallel_loop3A_155 {strides = array<i32>} : memref<2x32x8x128xf32, #tpu.memory_space<vmem>>, vector<16xf32>,
        %parallel_loop3A_162 = tpu.vector_load_idx %arg5[%broadcast_in_dim3A_23, %parallel_loop3A_133] : memref<8x1024xf32, #tpu.memory_space<vmem>>[vector<16xi32>, vector<16xi32>], vector<16xf32>,
        %parallel_loop3A_163 = arith.constant 4 : i32
        %parallel_loop3A_164 = arith.index_cast %rem3A_77 : i32 to index
        %parallel_loop3A_165 = arith.index_cast %parallel_loop3A_125 : i32 to index
        %parallel_loop3A_166 = arith.index_cast %parallel_loop3A_163 : i32 to index
        %parallel_loop3A_167 = arith.index_cast %parallel_loop3A_130 : i32 to index
        %parallel_loop3A_168 = tpu.vector_load %arg7[%parallel_loop3A_164, %parallel_loop3A_165, %parallel_loop3A_166, %parallel_loop3A_167] {strides = array<i32>} : memref<2x32x8x128xf32, #tpu.memory_space<vmem>>, vector<16xf32>,
        tpu.vector_store %arg7[%parallel_loop3A_164, %parallel_loop3A_165, %parallel_loop3A_166, %parallel_loop3A_167], %parallel_loop3A_162 {strides = array<i32>} : memref<2x32x8x128xf32, #tpu.memory_space<vmem>>, vector<16xf32>,
        %parallel_loop3A_169 = tpu.vector_load_idx %arg5[%broadcast_in_dim3A_25, %parallel_loop3A_133] : memref<8x1024xf32, #tpu.memory_space<vmem>>[vector<16xi32>, vector<16xi32>], vector<16xf32>,
        %parallel_loop3A_170 = arith.constant 5 : i32
        %parallel_loop3A_171 = arith.index_cast %rem3A_77 : i32 to index
        %parallel_loop3A_172 = arith.index_cast %parallel_loop3A_125 : i32 to index
        %parallel_loop3A_173 = arith.index_cast %parallel_loop3A_170 : i32 to index
        %parallel_loop3A_174 = arith.index_cast %parallel_loop3A_130 : i32 to index
        %parallel_loop3A_175 = tpu.vector_load %arg7[%parallel_loop3A_171, %parallel_loop3A_172, %parallel_loop3A_173, %parallel_loop3A_174] {strides = array<i32>} : memref<2x32x8x128xf32, #tpu.memory_space<vmem>>, vector<16xf32>,
        tpu.vector_store %arg7[%parallel_loop3A_171, %parallel_loop3A_172, %parallel_loop3A_173, %parallel_loop3A_174], %parallel_loop3A_169 {strides = array<i32>} : memref<2x32x8x128xf32, #tpu.memory_space<vmem>>, vector<16xf32>,
        %parallel_loop3A_176 = tpu.vector_load_idx %arg5[%broadcast_in_dim3A_27, %parallel_loop3A_133] : memref<8x1024xf32, #tpu.memory_space<vmem>>[vector<16xi32>, vector<16xi32>], vector<16xf32>,
        %parallel_loop3A_177 = arith.constant 6 : i32
        %parallel_loop3A_178 = arith.index_cast %rem3A_77 : i32 to index
        %parallel_loop3A_179 = arith.index_cast %parallel_loop3A_125 : i32 to index
        %parallel_loop3A_180 = arith.index_cast %parallel_loop3A_177 : i32 to index
        %parallel_loop3A_181 = arith.index_cast %parallel_loop3A_130 : i32 to index
        %parallel_loop3A_182 = tpu.vector_load %arg7[%parallel_loop3A_178, %parallel_loop3A_179, %parallel_loop3A_180, %parallel_loop3A_181] {strides = array<i32>} : memref<2x32x8x128xf32, #tpu.memory_space<vmem>>, vector<16xf32>,
        tpu.vector_store %arg7[%parallel_loop3A_178, %parallel_loop3A_179, %parallel_loop3A_180, %parallel_loop3A_181], %parallel_loop3A_176 {strides = array<i32>} : memref<2x32x8x128xf32, #tpu.memory_space<vmem>>, vector<16xf32>,
        %parallel_loop3A_183 = tpu.vector_load_idx %arg5[%broadcast_in_dim3A_29, %parallel_loop3A_133] : memref<8x1024xf32, #tpu.memory_space<vmem>>[vector<16xi32>, vector<16xi32>], vector<16xf32>,
        %parallel_loop3A_184 = arith.constant 7 : i32
        %parallel_loop3A_185 = arith.index_cast %rem3A_77 : i32 to index
        %parallel_loop3A_186 = arith.index_cast %parallel_loop3A_125 : i32 to index
        %parallel_loop3A_187 = arith.index_cast %parallel_loop3A_184 : i32 to index
        %parallel_loop3A_188 = arith.index_cast %parallel_loop3A_130 : i32 to index
        %parallel_loop3A_189 = tpu.vector_load %arg7[%parallel_loop3A_185, %parallel_loop3A_186, %parallel_loop3A_187, %parallel_loop3A_188] {strides = array<i32>} : memref<2x32x8x128xf32, #tpu.memory_space<vmem>>, vector<16xf32>,
        tpu.vector_store %arg7[%parallel_loop3A_185, %parallel_loop3A_186, %parallel_loop3A_187, %parallel_loop3A_188], %parallel_loop3A_183 {strides = array<i32>} : memref<2x32x8x128xf32, #tpu.memory_space<vmem>>, vector<16xf32>,
      } {sc.loop_unroll_factor = 8 : i64, sc.parallel_access}
      %mul3A_100 = arith.constant 32 : i32
      %mul3A_101 = arith.muli %scan3A_76, %mul3A_100 : i32
      %dma_start3A_102 = arith.constant 0 : i32
      %dma_start3A_103 = arith.constant 0 : i32
      %dma_start3A_104 = arith.constant 0 : i32
      %dma_start3A_105 = tpu.memref_slice %arg7[%rem3A_77, %dma_start3A_102, %dma_start3A_103, %dma_start3A_104] : memref<2x32x8x128xf32, #tpu.memory_space<vmem>> -> memref<1x32x8x128xf32, #tpu.memory_space<vmem>>
      %dma_start3A_106 = tpu.memref_squeeze %dma_start3A_105 : memref<1x32x8x128xf32, #tpu.memory_space<vmem>> -> memref<32x8x128xf32, #tpu.memory_space<vmem>>
      %dma_start3A_107 = arith.constant 0 : i32
      %dma_start3A_108 = arith.constant 0 : i32
      %dma_start3A_109 = tpu.memref_slice %arg4[%add3A, %mul3A_101, %dma_start3A_107, %dma_start3A_108] : memref<32x1024x8x128xf32, #tpu.memory_space<hbm>> -> memref<1x32x8x128xf32, #tpu.memory_space<hbm>>
      %dma_start3A_110 = tpu.memref_squeeze %dma_start3A_109 : memref<1x32x8x128xf32, #tpu.memory_space<hbm>> -> memref<32x8x128xf32, #tpu.memory_space<hbm>>
      %dma_start3A_111 = arith.constant 0 : i32
      %dma_start3A_112 = arith.constant 0 : i32
      %dma_start3A_113 = tpu.memref_slice %arg4[%add3A, %mul3A_101, %dma_start3A_111, %dma_start3A_112] : memref<32x1024x8x128xf32, #tpu.memory_space<hbm>> -> memref<1x32x8x128xf32, #tpu.memory_space<hbm>>
      %dma_start3A_114 = tpu.memref_squeeze %dma_start3A_113 : memref<1x32x8x128xf32, #tpu.memory_space<hbm>> -> memref<32x8x128xf32, #tpu.memory_space<hbm>>
      %dma_start3A_115 = arith.constant 0 : i32
      %dma_start3A_116 = arith.constant 0 : i32
      %dma_start3A_117 = arith.constant 0 : i32
      %dma_start3A_118 = tpu.memref_slice %arg7[%rem3A_77, %dma_start3A_115, %dma_start3A_116, %dma_start3A_117] : memref<2x32x8x128xf32, #tpu.memory_space<vmem>> -> memref<1x32x8x128xf32, #tpu.memory_space<vmem>>
      %dma_start3A_119 = tpu.memref_squeeze %dma_start3A_118 : memref<1x32x8x128xf32, #tpu.memory_space<vmem>> -> memref<32x8x128xf32, #tpu.memory_space<vmem>>
      tpu.enqueue_dma source(%dma_start3A_119 : memref<32x8x128xf32, #tpu.memory_space<vmem>>) target(%dma_start3A_114 : memref<32x8x128xf32, #tpu.memory_space<hbm>>) target_semaphore(%arg10 : memref<!tpu.dma_semaphore, #tpu.memory_space<semaphore_mem>>)
    }
    %scan3A_34 = arith.constant 32 : i32
    %dma_wait3A = arith.constant 0 : i32
    %dma_wait3A_35 = arith.constant 0 : i32
    %dma_wait3A_36 = arith.constant 0 : i32
    %dma_wait3A_37 = arith.constant 0 : i32
    %dma_wait3A_38 = tpu.memref_slice %arg7[%dma_wait3A, %dma_wait3A_35, %dma_wait3A_36, %dma_wait3A_37] : memref<2x32x8x128xf32, #tpu.memory_space<vmem>> -> memref<1x32x8x128xf32, #tpu.memory_space<vmem>>
    %dma_wait3A_39 = tpu.memref_squeeze %dma_wait3A_38 : memref<1x32x8x128xf32, #tpu.memory_space<vmem>> -> memref<32x8x128xf32, #tpu.memory_space<vmem>>
    %dma_wait3A_40 = arith.constant 0 : i32
    %dma_wait3A_41 = arith.constant 0 : i32
    %dma_wait3A_42 = arith.constant 0 : i32
    %dma_wait3A_43 = tpu.memref_slice %arg4[%add3A, %dma_wait3A_40, %dma_wait3A_41, %dma_wait3A_42] : memref<32x1024x8x128xf32, #tpu.memory_space<hbm>> -> memref<1x32x8x128xf32, #tpu.memory_space<hbm>>
    %dma_wait3A_44 = tpu.memref_squeeze %dma_wait3A_43 : memref<1x32x8x128xf32, #tpu.memory_space<hbm>> -> memref<32x8x128xf32, #tpu.memory_space<hbm>>
    %dma_wait3A_45 = arith.constant 0 : i32
    %dma_wait3A_46 = arith.constant 0 : i32
    %dma_wait3A_47 = arith.constant 0 : i32
    %dma_wait3A_48 = tpu.memref_slice %arg4[%add3A, %dma_wait3A_45, %dma_wait3A_46, %dma_wait3A_47] : memref<32x1024x8x128xf32, #tpu.memory_space<hbm>> -> memref<1x32x8x128xf32, #tpu.memory_space<hbm>>
    %dma_wait3A_49 = tpu.memref_squeeze %dma_wait3A_48 : memref<1x32x8x128xf32, #tpu.memory_space<hbm>> -> memref<32x8x128xf32, #tpu.memory_space<hbm>>
    %dma_wait3A_50 = arith.constant 0 : i32
    %dma_wait3A_51 = arith.constant 0 : i32
    %dma_wait3A_52 = arith.constant 0 : i32
    %dma_wait3A_53 = tpu.memref_slice %arg7[%dma_wait3A, %dma_wait3A_50, %dma_wait3A_51, %dma_wait3A_52] : memref<2x32x8x128xf32, #tpu.memory_space<vmem>> -> memref<1x32x8x128xf32, #tpu.memory_space<vmem>>
    %dma_wait3A_54 = tpu.memref_squeeze %dma_wait3A_53 : memref<1x32x8x128xf32, #tpu.memory_space<vmem>> -> memref<32x8x128xf32, #tpu.memory_space<vmem>>
    tpu.wait_dma2 semaphore(%arg10 : memref<!tpu.dma_semaphore, #tpu.memory_space<semaphore_mem>>) src(%dma_wait3A_54 : memref<32x8x128xf32, #tpu.memory_space<vmem>>) dst(%dma_wait3A_49 : memref<32x8x128xf32, #tpu.memory_space<hbm>>)
    %dma_wait3A_55 = arith.constant 1 : i32
    %dma_wait3A_56 = arith.constant 0 : i32
    %dma_wait3A_57 = arith.constant 0 : i32
    %dma_wait3A_58 = arith.constant 0 : i32
    %dma_wait3A_59 = tpu.memref_slice %arg7[%dma_wait3A_55, %dma_wait3A_56, %dma_wait3A_57, %dma_wait3A_58] : memref<2x32x8x128xf32, #tpu.memory_space<vmem>> -> memref<1x32x8x128xf32, #tpu.memory_space<vmem>>
    %dma_wait3A_60 = tpu.memref_squeeze %dma_wait3A_59 : memref<1x32x8x128xf32, #tpu.memory_space<vmem>> -> memref<32x8x128xf32, #tpu.memory_space<vmem>>
    %dma_wait3A_61 = arith.constant 0 : i32
    %dma_wait3A_62 = arith.constant 0 : i32
    %dma_wait3A_63 = arith.constant 0 : i32
    %dma_wait3A_64 = tpu.memref_slice %arg4[%add3A, %dma_wait3A_61, %dma_wait3A_62, %dma_wait3A_63] : memref<32x1024x8x128xf32, #tpu.memory_space<hbm>> -> memref<1x32x8x128xf32, #tpu.memory_space<hbm>>
    %dma_wait3A_65 = tpu.memref_squeeze %dma_wait3A_64 : memref<1x32x8x128xf32, #tpu.memory_space<hbm>> -> memref<32x8x128xf32, #tpu.memory_space<hbm>>
    %dma_wait3A_66 = arith.constant 0 : i32
    %dma_wait3A_67 = arith.constant 0 : i32
    %dma_wait3A_68 = arith.constant 0 : i32
    %dma_wait3A_69 = tpu.memref_slice %arg4[%add3A, %dma_wait3A_66, %dma_wait3A_67, %dma_wait3A_68] : memref<32x1024x8x128xf32, #tpu.memory_space<hbm>> -> memref<1x32x8x128xf32, #tpu.memory_space<hbm>>
    %dma_wait3A_70 = tpu.memref_squeeze %dma_wait3A_69 : memref<1x32x8x128xf32, #tpu.memory_space<hbm>> -> memref<32x8x128xf32, #tpu.memory_space<hbm>>
    %dma_wait3A_71 = arith.constant 0 : i32
    %dma_wait3A_72 = arith.constant 0 : i32
    %dma_wait3A_73 = arith.constant 0 : i32
    %dma_wait3A_74 = tpu.memref_slice %arg7[%dma_wait3A_55, %dma_wait3A_71, %dma_wait3A_72, %dma_wait3A_73] : memref<2x32x8x128xf32, #tpu.memory_space<vmem>> -> memref<1x32x8x128xf32, #tpu.memory_space<vmem>>
    %dma_wait3A_75 = tpu.memref_squeeze %dma_wait3A_74 : memref<1x32x8x128xf32, #tpu.memory_space<vmem>> -> memref<32x8x128xf32, #tpu.memory_space<vmem>>
    tpu.wait_dma2 semaphore(%arg10 : memref<!tpu.dma_semaphore, #tpu.memory_space<semaphore_mem>>) src(%dma_wait3A_75 : memref<32x8x128xf32, #tpu.memory_space<vmem>>) dst(%dma_wait3A_70 : memref<32x8x128xf32, #tpu.memory_space<hbm>>)
    return
  }
}

</mosaic_0001>

<sc_bundles>
// kernel: kernel.3.cloned.1.call-start
scs
__scs_entry_jumppad:
0x0: {  	(pc) =	sbr.rel $0x88, $3  }
0x1: {  	(tag) =	ssettag $0x0;
	lr =	simm.s32 $0x1  }
0x2: {  	[smem:$0x3F9F] =	sst lr;
	_ =	strace $0xD0000000  }
0x3: {  	_ = 	snop  }
0x4: {  	_ = 	snop  }
0x5: {  	_ = 	snop  }
0x6: {  	_ = 	snop  }
0x7: {  	_ = 	snop  }
__scs_overlays_trampoline_lowered:
0x8: {  	[smem:$0x3FAE] =	sst s0  }
0x9: {  	[smem:$0x3FAF] =	sst s1  }
0xa: {  	[smem:$0x3FB0] =	sst s2  }
0xb: {  	[smem:$0x3FB1] =	sst s3  }
0xc: {  	[smem:$0x3FB2] =	sst s4  }
0xd: {  	[smem:$0x3FB3] =	sst s5  }
0xe: {  	[smem:$0x3FB4] =	sst s6  }
0xf: {  	[smem:$0x3FB5] =	sst s7  }
0x10: {  	[smem:$0x3FB6] =	sst s8  }
0x11: {  	[smem:$0x3FB7] =	sst s9;
	s0 =	simm.s32 @!p0 $0x0  }
0x12: {  	s1 =	sld [smem:$0x3F9D];
	s0 =	simm.s32 @p0 $0x1  }
0x13: {  	[smem:$0x3FB8] =	sst s0;
	s0 =	simm.s32 @!p1 $0x0  }
0x14: {  	s2 =	sld [smem:$0x3F9C];
	s0 =	simm.s32 @p1 $0x1  }
0x15: {  	[smem:$0x3FB9] =	sst s0;
	s0 =	simm.s32 @!p2 $0x0  }
0x16: {  	s3 =	sld [smem:$0x3FDB];
	s0 =	simm.s32 @p2 $0x1  }
0x17: {  	s4 =	simm.s32 $0x1BF5;
	[smem:$0x3FBB] =	sst s0  }
0x18: {  	s0 =	sld [smem:$0x3F9E];
	_ =	swait.ge [sflag:s4], $0x0  }
0x19: {  	s7 =	sld [smem:$0x3F9F]  }
0x1a: {  	s8 =	sadd.s32 $0xFFFFE003, lr  }
0x1b: {  	s9 =	sadd.s32 $0xFFFFFEF7, lr;
	s5 =	simm.s32 $0xFFFFFFFF;
	p2 =	slt.u32 s8, $0xFFFFF086  }
0x1c: {  	p1 =	slt.u32 s9, $0xF7A;
	s5 =	simm.s32 @!p2 $0x0  }
0x1d: {  	s5 =	simm.s32 @p1 $0x1;
	p0 =	seq.s32 s7, s2  }
0x1e: {  	s7 =	smul.u32 @!p0 $0xF7A, s2;
	p2 =	seq.s32 @!p0 s5, $0x0  }
0x1f: {  	s9 =	smul.u32 $0xF7A, s1;
	s8 =	simm.s32 @!p0 $0x1BF5;
	p2 =	por !p2, p0  }
0x20: {  	[sflag:s8] =	ssyncset.s32 @!p0 $0xFFFFF086;
	s6 =	sadd.s32 @!p0 s3, s7;
	s7 =	simm.s32 @!p0 $0x108  }
0x21: {  	s3 =	sadd.s32 s3, s9;
	s6 =	sadd.s32 @!p0 $0x88, s6;
	s7 =	simm.s32 @p2 $0x1082  }
0x22: {  	[simem:s7], [sflag:s8] =	dma.local @!p0 [hbm:s6], $0xF7A  }
0x23: {  	s9 =	sor.u32 $0xD0000000, s2;
	s6 =	simm.s32 $0x108;
	_ =	swait.ge @!p0 [sflag:s8], $0x0  }
0x24: {  	s3 =	sadd.s32 $0x88, s3;
	s6 =	simm.s32 @!p1 $0x1082;
	[sflag:s4] =	ssyncset.s32 $0xFFFFF086  }
0x25: {  	[simem:s6], [sflag:s4] =	dma.local [hbm:s3], $0xF7A  }
0x26: {  	[smem:$0x3F9F] =	sst s1;
	(tag) =	ssettag s2;
	_ =	strace s9  }
0x27: {  	s1 =	sld [smem:$0x3FAF]  }
0x28: {  	s2 =	sld [smem:$0x3FB0]  }
0x29: {  	s4 =	sld [smem:$0x3FB2]  }
0x2a: {  	p0 =	seq.s32 s5, $0x0;
	s5 =	sld [smem:$0x3FB3]  }
0x2b: {  	s6 =	sld [smem:$0x3FB4]  }
0x2c: {  	s7 =	sld [smem:$0x3FB5]  }
0x2d: {  	s3 =	simm.s32 $0x108;
	s8 =	sld [smem:$0x3FB6]  }
0x2e: {  	s3 =	simm.s32 @!p0 $0x1082;
	s9 =	sld [smem:$0x3FB7]  }
0x2f: {  	lr =	sadd.s32 s0, s3;
	s0 =	sld [smem:$0x3FAE]  }
0x30: {  	s3 =	sld [smem:$0x3FB1]  }
0x31: {  	[smem:$0x3FBA] =	sst s10  }
0x32: {  	s10 =	sld [smem:$0x3FB8];
	_ =	sdelay $0x3  }
0x33: {  	p0 =	seq.s32 s10, $0x1;
	s10 =	sld [smem:$0x3FBA];
	_ =	sdelay $0x3  }
0x34: {  	[smem:$0x3FBA] =	sst s10  }
0x35: {  	s10 =	sld [smem:$0x3FB9];
	_ =	sdelay $0x3  }
0x36: {  	p1 =	seq.s32 s10, $0x1;
	s10 =	sld [smem:$0x3FBA];
	_ =	sdelay $0x3  }
0x37: {  	[smem:$0x3FBA] =	sst s10  }
0x38: {  	s10 =	sld [smem:$0x3FBB]  }
0x39: {  	_ = 	snop;
	(pc) =	sbr.ind lr, $3  }
0x3a: {  	_ = 	snop  }
0x3b: {  	_ = 	snop  }
0x3c: {  	p2 =	seq.s32 s10, $0x1;
	s10 =	sld [smem:$0x3FBA]  }
0x3d: {  	_ =	shalt  }
0x3e: {  	_ =	shalt  }
0x3f: {  	_ =	shalt  }
0x40: {  	_ =	shalt  }
0x41: {  	_ =	shalt  }
0x42: {  	_ =	shalt  }
0x43: {  	_ =	shalt  }
0x44: {  	_ =	shalt  }
0x45: {  	_ =	shalt  }
0x46: {  	_ =	shalt  }
0x47: {  	_ =	shalt  }
0x48: {  	_ =	shalt  }
0x49: {  	_ =	shalt  }
0x4a: {  	_ =	shalt  }
0x4b: {  	_ =	shalt  }
0x4c: {  	_ =	shalt  }
0x4d: {  	_ =	shalt  }
0x4e: {  	_ =	shalt  }
0x4f: {  	_ =	shalt  }
0x50: {  	_ =	shalt  }
0x51: {  	_ =	shalt  }
0x52: {  	_ =	shalt  }
0x53: {  	_ =	shalt  }
0x54: {  	_ =	shalt  }
0x55: {  	_ =	shalt  }
0x56: {  	_ =	shalt  }
0x57: {  	_ =	shalt  }
0x58: {  	_ =	shalt  }
0x59: {  	_ =	shalt  }
0x5a: {  	_ =	shalt  }
0x5b: {  	_ =	shalt  }
0x5c: {  	_ =	shalt  }
0x5d: {  	_ =	shalt  }
0x5e: {  	_ =	shalt  }
0x5f: {  	_ =	shalt  }
0x60: {  	_ =	shalt  }
0x61: {  	_ =	shalt  }
0x62: {  	_ =	shalt  }
0x63: {  	_ =	shalt  }
0x64: {  	_ =	shalt  }
0x65: {  	_ =	shalt  }
0x66: {  	_ =	shalt  }
0x67: {  	_ =	shalt  }
0x68: {  	_ =	shalt  }
0x69: {  	_ =	shalt  }
0x6a: {  	_ =	shalt  }
0x6b: {  	_ =	shalt  }
0x6c: {  	_ =	shalt  }
0x6d: {  	_ =	shalt  }
0x6e: {  	_ =	shalt  }
0x6f: {  	_ =	shalt  }
0x70: {  	_ =	shalt  }
0x71: {  	_ =	shalt  }
0x72: {  	_ =	shalt  }
0x73: {  	_ =	shalt  }
0x74: {  	_ =	shalt  }
0x75: {  	_ =	shalt  }
0x76: {  	_ =	shalt  }
0x77: {  	_ =	shalt  }
0x78: {  	_ =	shalt  }
0x79: {  	_ =	shalt  }
0x7a: {  	_ =	shalt  }
0x7b: {  	_ =	shalt  }
0x7c: {  	_ =	shalt  }
0x7d: {  	_ =	shalt  }
0x7e: {  	_ =	shalt  }
0x7f: {  	_ =	shalt  }
0x80: {  	_ =	shalt  }
0x81: {  	_ =	shalt  }
0x82: {  	_ =	shalt  }
0x83: {  	_ =	shalt  }
0x84: {  	_ =	shalt  }
0x85: {  	_ =	shalt  }
0x86: {  	_ =	shalt  }
0x87: {  	_ =	shalt  }
.Lfunc_end0:
.L_simem_size_0:
called_computation_lowered:
.L_overlay_start_0:
0x88: {  	s2 =	sld [smem:$0x3FD9]  }
0x89: {  	s3 =	sld [smem:$0x3FFE];
	_ =	sdelay $0x1  }
0x8a: {  	s1 =	srdreg.scid  }
0x8b: {  	s0 =	sand.u32 $0x1, s1  }
0x8c: {  	s18 =	sshll.u32 s0, $0xA;
	s2 =	sadd.s32 s3, s2  }
0x8d: {  	s2 =	sadd.s32 s2, s18  }
0x8e: {  	[smem:$0x3FC6] =	sst s2  }
0x8f: {  	_ = 	snop  }
0x90: {  	s2 =	sld [smem:$0x3FC9]  }
0x91: {  	s19 =	sld [smem:$0x3FC8]  }
0x92: {  	s4 =	sld [smem:$0x3FD0];
	(tm) =	ssettm $0x1  }
0x93: {  	s5 =	sld [smem:$0x3FFB];
	_ =	sdelay $0x3  }
0x94: {  	_ =	strace s5  }
0x95: {  	s5 =	sld [smem:$0x3FFC];
	_ =	sdelay $0x3  }
0x96: {  	_ =	strace s5  }
0x97: {  	s5 =	sld [smem:$0x3FFD];
	_ =	sdelay $0x3  }
0x98: {  	_ =	strace s5  }
0x99: {  	_ =	strace $0x8FFFFFFF  }
0x9a: {  	s20 =	sld [smem:$0x3FDB];
	_ =	sdelay $0x1  }
0x9b: {  	s6 =	simm.s32 $_scs_section_size  }
0x9c: {  	s7 =	simm.s32 $_size__tile_overlayer_lowered;
	s8 =	simm.s32 $_tile_overlayer_lowered  }
0x9d: {  	s23 =	simm.s32 $0x1BFF;
	s22 =	sshll.u32 s8, $0x1;
	s5 =	sadd.s32 s6, s20  }
0x9e: {  	s9 =	simm.s32 $0x0;
	s21 =	sshll.u32 s7, $0x1;
	s7 =	sadd.s32 s22, s5  }
0x9f: {  	[timem:s9], [sflag:s23] =	dma.local [hbm:s7], s21  }
0xa0: {  	_ =	swait.ge [sflag:s23], s21  }
0xa1: {  	s6 =	ssub.s32 $0x0, s21;
	[sflag:s23] =	ssyncset.done $0x0  }
0xa2: {  	[sflag:s23] =	ssyncadd.s32 s6;
	_ =	sdelay $0x1  }
0xa3: {  	s24 =	simm.s32 $0x1B8B  }
0xa4: {  	_ =	swait.ge [sflag:s24], $0x1  }
0xa5: {  	[sflag:s24] =	ssyncset.done $0x0  }
0xa6: {  	s25 =	simm.s32 $0x1B8E;
	[sflag:s24] =	ssyncadd.s32 $0xFFFFFFFF  }
0xa7: {  	s26 =	simm.s32 $execute0_lowered;
	[smem:$0x3FD2] =	sst s25  }
0xa8: {  	s6 =	sshll.u32 s26, $0x1;
	_ =	strace $0x80000046;
	[dreg:$0x1] =	wrdreg $0xFFFFFFFF  }
0xa9: {  	s28 =	simm.s32 $_size_execute0_lowered;
	s5 =	sadd.s32 s5, s6;
	[dreg:$0x0] =	wrdreg $0x0  }
0xaa: {  	s6 =	sshll.u32 s28, $0x1;
	[dreg:$0x2] =	wrdreg s5  }
0xab: {  	[dreg:$0x3] =	wrdreg s6  }
0xac: {  	[dreg:$0x4] =	wrdreg $0xC0  }
0xad: {  	_ =	task [dreg:s9], $0x5FFFF  }
0xae: {  	[dreg:$0x1] =	wrdreg $0xFFFFFFFF  }
0xaf: {  	[dreg:$0x0] =	wrdreg $0x60  }
0xb0: {  	[dreg:$0x2] =	wrdreg s2  }
0xb1: {  	[dreg:$0x3] =	wrdreg s19  }
0xb2: {  	[dreg:$0x4] =	wrdreg s4  }
0xb3: {  	[dreg:$0x5] =	wrdreg $0x140000  }
0xb4: {  	[dreg:$0x6] =	wrdreg $0x9  }
0xb5: {  	_ =	task.clear_ibuf [dreg:s9], $0x7FFFF;
	_ =	strace $0x90000046  }
0xb6: {  	s29 =	simm.s32 $0x9;
	_ =	strace $0x80000048  }
0xb7: {  	_ =	swait.ge [sflag:s29], $0x1  }
0xb8: {  	[sflag:s29] =	ssyncadd.s32 $0xFFFFFFFF  }
0xb9: {  	_ =	strace $0x90000048  }
0xba: {  	_ =	sfence  }
0xbb: {  	s30 =	sld [smem:$0x0];
	_ =	sdelay $0x2  }
0xbc: {  	s31 =	sshll.u32 s1, $0xD;
	s1 =	sshrl.u32 s1, $0x2  }
0xbd: {  	s3 =	sand.u32 $0x4000, s31;
	s1 =	sadd.s32 s1, s30  }
0xbe: {  	s0 =	sor.u32 s3, s0;
	s1 =	sshll.u32 s1, $0x11  }
0xbf: {  	s0 =	sor.u32 s1, s0  }
0xc0: {  	s0 =	sadd.s32 $0x8F2B, s0  }
0xc1: {  	[sflag:s0] =	ssyncadd.remote.s32 $0x1  }
0xc2: {  	_ =	sfence.sel $0xFFFF  }
0xc3: {  	[dreg:$0x0] =	wrdreg $0xFFFFFFFF;
	(pc) =	sbr.abs _section_cstart, $3  }
0xc4: {  	[dreg:$0x1] =	wrdreg $0xFFFFFFFF  }
0xc5: {  	_ =	task.clear_ibuf [dreg:s9], $0x2FFFF;
	_ =	strace $0x9FFFFFFF  }
0xc6: {  	(tm) =	ssettm $0x7FFFFFFF  }
0xc7: {  	_ =	shalt  }
tec
execute0_lowered:
.L_overlay_start_1:
0x0: {  	(tag) =	ssettag $0x1  }
0x1: {  	s0 =	rddreg [dreg:$0x0]  }
0x2: {  	s1 =	rddreg [dreg:$0x2]  }
0x3: {  	s2 =	rddreg [dreg:$0x3];
	s3 =	simm.s32 $0x0;
	s4 =	srdreg.scid  }
0x4: {  	s6 =	stileid.u32;
	[smem:$0x7FF] =	sst s3;
	s13 =	sadd.s32 $0x80, s2  }
0x5: {  	s14 =	sadd.s32 $0x100, s2;
	_ =	strace $0x80000047;
	[dreg:$0x7] =	wrdreg s13  }
0x6: {  	s10 =	simm.s32 $0x3;
	s15 =	sadd.s32 $0x180, s2;
	[dreg:$0x8] =	wrdreg s14  }
0x7: {  	s4 =	sand.u32 $0x1, s4;
	s16 =	sadd.s32 $0x200, s2;
	[dreg:$0x9] =	wrdreg s15  }
0x8: {  	s5 =	sshll.u32 s6, $0x1;
	s17 =	sadd.s32 $0x280, s2;
	[dreg:$0xa] =	wrdreg s16  }
0x9: {  	s18 =	sadd.s32 $0x300, s2;
	s19 =	sadd.s32 $0x380, s2;
	[dreg:$0xb] =	wrdreg s17  }
0xa: {  	s20 =	sadd.s32 $0x400, s2;
	s21 =	sadd.s32 $0x480, s2;
	[dreg:$0xc] =	wrdreg s18  }
0xb: {  	s22 =	sadd.s32 $0x500, s2;
	s23 =	sadd.s32 $0x580, s2;
	[dreg:$0xd] =	wrdreg s19  }
0xc: {  	s24 =	sadd.s32 $0x600, s2;
	s25 =	sadd.s32 $0x680, s2;
	[dreg:$0xe] =	wrdreg s20  }
0xd: {  	s26 =	sadd.s32 $0x700, s2;
	p0 =	sne.s32 s6, $0x0;
	[dreg:$0xf] =	wrdreg s21  }
0xe: {  	s28 =	sadd.s32 $0xA80, s2;
	s29 =	sadd.s32 $0xB00, s2;
	[dreg:$0x10] =	wrdreg s22  }
0xf: {  	s30 =	sadd.s32 $0xB80, s2;
	s31 =	sadd.s32 $0xC00, s2;
	[dreg:$0x11] =	wrdreg s23  }
0x10: {  	s6 =	sadd.s32 $0xE00, s2;
	s9 =	sadd.s32 $0xF80, s2;
	[dreg:$0x12] =	wrdreg s24  }
0x11: {  	s7 =	ssub.s32 $0x2, s4;
	s4 =	sor.u32 s4, s5;
	[dreg:$0x13] =	wrdreg s25  }
0x12: {  	[dreg:$0x14] =	wrdreg s26;
	s21 =	sadd.s32 $0x780, s2;
	s22 =	sadd.s32 $0x800, s2  }
0x13: {  	s23 =	sadd.s32 $0x880, s2;
	s24 =	sadd.s32 $0x900, s2;
	s25 =	sadd.s32 $0x980, s2  }
0x14: {  	s26 =	sadd.s32 $0xA00, s2;
	s13 =	simm.s32 $0x0;
	s11 =	sshrl.u32 s7, $0x1  }
0x15: {  	s8 =	sshll.u32 s4, $0xA;
	s4 =	sshll.u32 s4, $0x11;
	s7 =	ssub.s32 s7, s11  }
0x16: {  	s0 =	sadd.s32 s0, s8;
	s5 =	sadd.s32 s1, s4;
	s1 =	sadd.s32 $0xD00, s2  }
0x17: {  	s4 =	sadd.s32 $0xD80, s2;
	s8 =	sadd.s32 $0xF00, s2;
	s11 =	simm.s32 $0x1  }
0x18: {  	[dreg:$0x5] =	wrdreg s0;
	s12 =	smax.u32 s7, $0x1;
	s0 =	sadd.s32 $0xC80, s2  }
0x19: {  	s7 =	sadd.s32 $0xE80, s2;
	[dreg:$0x6] =	wrdreg s12;
	s12 =	simm.s32 $0x2  }
.LBB2_1:
0x1a: {  	s14 =	sshrl.u32 @!p0 s2, $0x3;
	s15 =	simm.s32 @!p0 $0x1C03;
	s16 =	rddreg [dreg:$0x1]  }
0x1b: {  	[spmem:s14], [sflag:s15] =	dma.local @!p0 [hbm:s16], $0x4000  }
0x1c: {  	s14 =	simm.s32 @!p0 $0x3  }
0x1d: {  	_ =	swait.ge @!p0 [sflag:s14], $0x4000  }
0x1e: {  	[sflag:s14] =	ssyncset.done @!p0 $0x0  }
0x1f: {  	s15 =	rddreg [dreg:$0x5];
	[sflag:s14] =	ssyncadd.s32 @!p0 $0xFFFFC000  }
0x20: {  	[tilespmem:s3], [sflag:$0x3] =	stream.linear.gather [hbm4b:s15+s3], $0x2000, $0x38;
	[tilespmem:$0x16000] =	vst v63  }
0x21: {  	_ =	swait.ge [sflag:s10], $0x2000  }
0x22: {  	[sflag:s10] =	ssyncset.done $0x0  }
0x23: {  	[sflag:s10] =	ssyncadd.s32 $0xFFFFE000  }
0x24: {  	s16 =	simm.s32 $0x2000;
	[bflag:$0x0] =	sbarrier.arrive $0xFFFF  }
0x25: {  	[tilespmem:s16], [sflag:$0x1] =	stream.linear.gather [spmem:s2], $0x80, $0x38;
	[tilespmem:$0x16000] =	vst v63  }
0x26: {  	s18 =	simm.s32 $0x2100;
	s17 =	rddreg [dreg:$0x7]  }
0x27: {  	[tilespmem:s18], [sflag:$0x1] =	stream.linear.gather [spmem:s17], $0x80, $0x38;
	[tilespmem:$0x16000] =	vst v63  }
0x28: {  	s20 =	simm.s32 $0x2200;
	s19 =	rddreg [dreg:$0x8]  }
0x29: {  	[tilespmem:s20], [sflag:$0x1] =	stream.linear.gather [spmem:s19], $0x80, $0x38;
	[tilespmem:$0x16000] =	vst v63  }
0x2a: {  	s15 =	rddreg [dreg:$0x9];
	s16 =	simm.s32 $0x2300  }
0x2b: {  	[tilespmem:s16], [sflag:$0x1] =	stream.linear.gather [spmem:s15], $0x80, $0x38;
	[tilespmem:$0x16000] =	vst v63  }
0x2c: {  	s17 =	rddreg [dreg:$0xa];
	s18 =	simm.s32 $0x2400  }
0x2d: {  	[tilespmem:s18], [sflag:$0x1] =	stream.linear.gather [spmem:s17], $0x80, $0x38;
	[tilespmem:$0x16000] =	vst v63  }
0x2e: {  	s19 =	rddreg [dreg:$0xb];
	s20 =	simm.s32 $0x2500  }
0x2f: {  	[tilespmem:s20], [sflag:$0x1] =	stream.linear.gather [spmem:s19], $0x80, $0x38;
	[tilespmem:$0x16000] =	vst v63  }
0x30: {  	s15 =	rddreg [dreg:$0xc];
	s16 =	simm.s32 $0x2600  }
0x31: {  	[tilespmem:s16], [sflag:$0x1] =	stream.linear.gather [spmem:s15], $0x80, $0x38;
	[tilespmem:$0x16000] =	vst v63  }
0x32: {  	s17 =	rddreg [dreg:$0xd];
	s18 =	simm.s32 $0x2700  }
0x33: {  	[tilespmem:s18], [sflag:$0x1] =	stream.linear.gather [spmem:s17], $0x80, $0x38;
	[tilespmem:$0x16000] =	vst v63  }
0x34: {  	s19 =	rddreg [dreg:$0xe];
	s20 =	simm.s32 $0x2800  }
0x35: {  	[tilespmem:s20], [sflag:$0x1] =	stream.linear.gather [spmem:s19], $0x80, $0x38;
	[tilespmem:$0x16000] =	vst v63  }
0x36: {  	s15 =	rddreg [dreg:$0xf];
	s16 =	simm.s32 $0x2900  }
0x37: {  	[tilespmem:s16], [sflag:$0x1] =	stream.linear.gather [spmem:s15], $0x80, $0x38;
	[tilespmem:$0x16000] =	vst v63  }
0x38: {  	s17 =	rddreg [dreg:$0x10];
	s18 =	simm.s32 $0x2A00  }
0x39: {  	[tilespmem:s18], [sflag:$0x1] =	stream.linear.gather [spmem:s17], $0x80, $0x38;
	[tilespmem:$0x16000] =	vst v63  }
0x3a: {  	s19 =	rddreg [dreg:$0x11];
	s20 =	simm.s32 $0x2B00  }
0x3b: {  	[tilespmem:s20], [sflag:$0x1] =	stream.linear.gather [spmem:s19], $0x80, $0x38;
	[tilespmem:$0x16000] =	vst v63  }
0x3c: {  	s15 =	rddreg [dreg:$0x12];
	s16 =	simm.s32 $0x2C00  }
0x3d: {  	[tilespmem:s16], [sflag:$0x1] =	stream.linear.gather [spmem:s15], $0x80, $0x38;
	[tilespmem:$0x16000] =	vst v63  }
0x3e: {  	s17 =	rddreg [dreg:$0x13];
	s18 =	simm.s32 $0x2D00  }
0x3f: {  	[tilespmem:s18], [sflag:$0x1] =	stream.linear.gather [spmem:s17], $0x80, $0x38;
	[tilespmem:$0x16000] =	vst v63  }
0x40: {  	s19 =	rddreg [dreg:$0x14];
	s20 =	simm.s32 $0x2E00  }
0x41: {  	[tilespmem:s20], [sflag:$0x1] =	stream.linear.gather [spmem:s19], $0x80, $0x38;
	[tilespmem:$0x16000] =	vst v63  }
0x42: {  	s16 =	simm.s32 $0x2F00  }
0x43: {  	[tilespmem:s16], [sflag:$0x1] =	stream.linear.gather [spmem:s21], $0x80, $0x38;
	[tilespmem:$0x16000] =	vst v63  }
0x44: {  	s17 =	simm.s32 $0x3000  }
0x45: {  	[tilespmem:s17], [sflag:$0x1] =	stream.linear.gather [spmem:s22], $0x80, $0x38;
	[tilespmem:$0x16000] =	vst v63  }
0x46: {  	s18 =	simm.s32 $0x3100  }
0x47: {  	[tilespmem:s18], [sflag:$0x1] =	stream.linear.gather [spmem:s23], $0x80, $0x38;
	[tilespmem:$0x16000] =	vst v63  }
0x48: {  	s19 =	simm.s32 $0x3200  }
0x49: {  	[tilespmem:s19], [sflag:$0x1] =	stream.linear.gather [spmem:s24], $0x80, $0x38;
	[tilespmem:$0x16000] =	vst v63  }
0x4a: {  	s20 =	simm.s32 $0x3300  }
0x4b: {  	[tilespmem:s20], [sflag:$0x1] =	stream.linear.gather [spmem:s25], $0x80, $0x38;
	[tilespmem:$0x16000] =	vst v63  }
0x4c: {  	s15 =	simm.s32 $0x3400  }
0x4d: {  	[tilespmem:s15], [sflag:$0x1] =	stream.linear.gather [spmem:s26], $0x80, $0x38;
	[tilespmem:$0x16000] =	vst v63  }
0x4e: {  	s16 =	simm.s32 $0x3500  }
0x4f: {  	[tilespmem:s16], [sflag:$0x1] =	stream.linear.gather [spmem:s28], $0x80, $0x38;
	[tilespmem:$0x16000] =	vst v63  }
0x50: {  	s17 =	simm.s32 $0x3600  }
0x51: {  	[tilespmem:s17], [sflag:$0x1] =	stream.linear.gather [spmem:s29], $0x80, $0x38;
	[tilespmem:$0x16000] =	vst v63  }
0x52: {  	s18 =	simm.s32 $0x3700  }
0x53: {  	[tilespmem:s18], [sflag:$0x1] =	stream.linear.gather [spmem:s30], $0x80, $0x38;
	[tilespmem:$0x16000] =	vst v63  }
0x54: {  	s19 =	simm.s32 $0x3800  }
0x55: {  	[tilespmem:s19], [sflag:$0x1] =	stream.linear.gather [spmem:s31], $0x80, $0x38;
	[tilespmem:$0x16000] =	vst v63  }
0x56: {  	s20 =	simm.s32 $0x3900  }
0x57: {  	[tilespmem:s20], [sflag:$0x1] =	stream.linear.gather [spmem:s0], $0x80, $0x38;
	[tilespmem:$0x16000] =	vst v63  }
0x58: {  	s15 =	simm.s32 $0x3A00  }
0x59: {  	[tilespmem:s15], [sflag:$0x1] =	stream.linear.gather [spmem:s1], $0x80, $0x38;
	[tilespmem:$0x16000] =	vst v63  }
0x5a: {  	s16 =	simm.s32 $0x3B00  }
0x5b: {  	[tilespmem:s16], [sflag:$0x1] =	stream.linear.gather [spmem:s4], $0x80, $0x38;
	[tilespmem:$0x16000] =	vst v63  }
0x5c: {  	s17 =	simm.s32 $0x3C00  }
0x5d: {  	[tilespmem:s17], [sflag:$0x1] =	stream.linear.gather [spmem:s6], $0x80, $0x38;
	[tilespmem:$0x16000] =	vst v63  }
0x5e: {  	s18 =	simm.s32 $0x3D00  }
0x5f: {  	[tilespmem:s18], [sflag:$0x1] =	stream.linear.gather [spmem:s7], $0x80, $0x38;
	[tilespmem:$0x16000] =	vst v63  }
0x60: {  	s19 =	simm.s32 $0x3E00  }
0x61: {  	[tilespmem:s19], [sflag:$0x1] =	stream.linear.gather [spmem:s8], $0x80, $0x38;
	[tilespmem:$0x16000] =	vst v63  }
0x62: {  	p1 =	por $0x0, $0x0;
	s14 =	simm.s32 $0x0;
	s20 =	simm.s32 $0x3F00  }
0x63: {  	[tilespmem:s20], [sflag:$0x1] =	stream.linear.gather [spmem:s9], $0x80, $0x38;
	[tilespmem:$0x16000] =	vst v63  }
.LBB2_2:
0x64: {  	p2 =	seq.s32 s14, $0x1F  }
.Ltmp0:
0x65: {  	_ = 	snop;
	(pc) =	sbr.rel @p2 .LBB2_4-.Ltmp0, $4  }
0x66: {  	_ = 	snop  }
0x67: {  	_ =	swait.ge [sflag:s11], $0x1000  }
0x68: {  	[sflag:s11] =	ssyncset.done $0x0  }
0x69: {  	s15 =	sadd.s32 $0x1, s14;
	[sflag:s11] =	ssyncadd.s32 $0xFFFFF000  }
0x6a: {  	s16 =	sshll.u32 s15, $0x7;
	s17 =	sshll.u32 s15, $0xC  }
0x6b: {  	s16 =	sand.u32 $0x80, s16;
	s17 =	sand.u32 $0x3FFFF000, s17  }
0x6c: {  	s18 =	sor.u32 $0x2000, s16;
	s17 =	sadd.s32 s17, s2  }
0x6d: {  	[tilespmem:s18], [sflag:$0x1] =	stream.linear.gather [spmem:s17], $0x80, $0x38;
	[tilespmem:$0x16000] =	vst v63  }
0x6e: {  	s19 =	sor.u32 $0x2100, s16;
	s20 =	sadd.s32 $0x80, s17  }
0x6f: {  	[tilespmem:s19], [sflag:$0x1] =	stream.linear.gather [spmem:s20], $0x80, $0x38;
	[tilespmem:$0x16000] =	vst v63  }
0x70: {  	s19 =	sadd.s32 $0x100, s17;
	s20 =	sor.u32 $0x2200, s16  }
0x71: {  	[tilespmem:s20], [sflag:$0x1] =	stream.linear.gather [spmem:s19], $0x80, $0x38;
	[tilespmem:$0x16000] =	vst v63  }
0x72: {  	s19 =	sadd.s32 $0x180, s17;
	s20 =	sor.u32 $0x2300, s16  }
0x73: {  	[tilespmem:s20], [sflag:$0x1] =	stream.linear.gather [spmem:s19], $0x80, $0x38;
	[tilespmem:$0x16000] =	vst v63  }
0x74: {  	s19 =	sadd.s32 $0x200, s17;
	s20 =	sor.u32 $0x2400, s16  }
0x75: {  	[tilespmem:s20], [sflag:$0x1] =	stream.linear.gather [spmem:s19], $0x80, $0x38;
	[tilespmem:$0x16000] =	vst v63  }
0x76: {  	s19 =	sadd.s32 $0x280, s17;
	s20 =	sor.u32 $0x2500, s16  }
0x77: {  	[tilespmem:s20], [sflag:$0x1] =	stream.linear.gather [spmem:s19], $0x80, $0x38;
	[tilespmem:$0x16000] =	vst v63  }
0x78: {  	s19 =	sadd.s32 $0x300, s17;
	s20 =	sor.u32 $0x2600, s16  }
0x79: {  	[tilespmem:s20], [sflag:$0x1] =	stream.linear.gather [spmem:s19], $0x80, $0x38;
	[tilespmem:$0x16000] =	vst v63  }
0x7a: {  	s19 =	sadd.s32 $0x380, s17;
	s20 =	sor.u32 $0x2700, s16  }
0x7b: {  	[tilespmem:s20], [sflag:$0x1] =	stream.linear.gather [spmem:s19], $0x80, $0x38;
	[tilespmem:$0x16000] =	vst v63  }
0x7c: {  	s19 =	sadd.s32 $0x400, s17;
	s20 =	sor.u32 $0x2800, s16  }
0x7d: {  	[tilespmem:s20], [sflag:$0x1] =	stream.linear.gather [spmem:s19], $0x80, $0x38;
	[tilespmem:$0x16000] =	vst v63  }
0x7e: {  	s19 =	sadd.s32 $0x480, s17;
	s20 =	sor.u32 $0x2900, s16  }
0x7f: {  	[tilespmem:s20], [sflag:$0x1] =	stream.linear.gather [spmem:s19], $0x80, $0x38;
	[tilespmem:$0x16000] =	vst v63  }
0x80: {  	s19 =	sadd.s32 $0x500, s17;
	s20 =	sor.u32 $0x2A00, s16  }
0x81: {  	[tilespmem:s20], [sflag:$0x1] =	stream.linear.gather [spmem:s19], $0x80, $0x38;
	[tilespmem:$0x16000] =	vst v63  }
0x82: {  	s19 =	sadd.s32 $0x580, s17;
	s20 =	sor.u32 $0x2B00, s16  }
0x83: {  	[tilespmem:s20], [sflag:$0x1] =	stream.linear.gather [spmem:s19], $0x80, $0x38;
	[tilespmem:$0x16000] =	vst v63  }
0x84: {  	s19 =	sadd.s32 $0x600, s17;
	s20 =	sor.u32 $0x2C00, s16  }
0x85: {  	[tilespmem:s20], [sflag:$0x1] =	stream.linear.gather [spmem:s19], $0x80, $0x38;
	[tilespmem:$0x16000] =	vst v63  }
0x86: {  	s19 =	sadd.s32 $0x680, s17;
	s20 =	sor.u32 $0x2D00, s16  }
0x87: {  	[tilespmem:s20], [sflag:$0x1] =	stream.linear.gather [spmem:s19], $0x80, $0x38;
	[tilespmem:$0x16000] =	vst v63  }
0x88: {  	s19 =	sadd.s32 $0x700, s17;
	s20 =	sor.u32 $0x2E00, s16  }
0x89: {  	[tilespmem:s20], [sflag:$0x1] =	stream.linear.gather [spmem:s19], $0x80, $0x38;
	[tilespmem:$0x16000] =	vst v63  }
0x8a: {  	s19 =	sadd.s32 $0x780, s17;
	s20 =	sor.u32 $0x2F00, s16  }
0x8b: {  	[tilespmem:s20], [sflag:$0x1] =	stream.linear.gather [spmem:s19], $0x80, $0x38;
	[tilespmem:$0x16000] =	vst v63  }
0x8c: {  	s19 =	sadd.s32 $0x800, s17;
	s20 =	sor.u32 $0x3000, s16  }
0x8d: {  	[tilespmem:s20], [sflag:$0x1] =	stream.linear.gather [spmem:s19], $0x80, $0x38;
	[tilespmem:$0x16000] =	vst v63  }
0x8e: {  	s19 =	sadd.s32 $0x880, s17;
	s20 =	sor.u32 $0x3100, s16  }
0x8f: {  	[tilespmem:s20], [sflag:$0x1] =	stream.linear.gather [spmem:s19], $0x80, $0x38;
	[tilespmem:$0x16000] =	vst v63  }
0x90: {  	s19 =	sadd.s32 $0x900, s17;
	s20 =	sor.u32 $0x3200, s16  }
0x91: {  	[tilespmem:s20], [sflag:$0x1] =	stream.linear.gather [spmem:s19], $0x80, $0x38;
	[tilespmem:$0x16000] =	vst v63  }
0x92: {  	s19 =	sadd.s32 $0x980, s17;
	s20 =	sor.u32 $0x3300, s16  }
0x93: {  	[tilespmem:s20], [sflag:$0x1] =	stream.linear.gather [spmem:s19], $0x80, $0x38;
	[tilespmem:$0x16000] =	vst v63  }
0x94: {  	s19 =	sadd.s32 $0xA00, s17;
	s20 =	sor.u32 $0x3400, s16  }
0x95: {  	[tilespmem:s20], [sflag:$0x1] =	stream.linear.gather [spmem:s19], $0x80, $0x38;
	[tilespmem:$0x16000] =	vst v63  }
0x96: {  	s19 =	sadd.s32 $0xA80, s17;
	s20 =	sor.u32 $0x3500, s16  }
0x97: {  	[tilespmem:s20], [sflag:$0x1] =	stream.linear.gather [spmem:s19], $0x80, $0x38;
	[tilespmem:$0x16000] =	vst v63  }
0x98: {  	s19 =	sadd.s32 $0xB00, s17;
	s20 =	sor.u32 $0x3600, s16  }
0x99: {  	[tilespmem:s20], [sflag:$0x1] =	stream.linear.gather [spmem:s19], $0x80, $0x38;
	[tilespmem:$0x16000] =	vst v63  }
0x9a: {  	s19 =	sadd.s32 $0xB80, s17;
	s20 =	sor.u32 $0x3700, s16  }
0x9b: {  	[tilespmem:s20], [sflag:$0x1] =	stream.linear.gather [spmem:s19], $0x80, $0x38;
	[tilespmem:$0x16000] =	vst v63  }
0x9c: {  	s19 =	sadd.s32 $0xC00, s17;
	s20 =	sor.u32 $0x3800, s16  }
0x9d: {  	[tilespmem:s20], [sflag:$0x1] =	stream.linear.gather [spmem:s19], $0x80, $0x38;
	[tilespmem:$0x16000] =	vst v63  }
0x9e: {  	s19 =	sadd.s32 $0xC80, s17;
	s20 =	sor.u32 $0x3900, s16  }
0x9f: {  	[tilespmem:s20], [sflag:$0x1] =	stream.linear.gather [spmem:s19], $0x80, $0x38;
	[tilespmem:$0x16000] =	vst v63  }
0xa0: {  	s19 =	sadd.s32 $0xD00, s17;
	s20 =	sor.u32 $0x3A00, s16  }
0xa1: {  	[tilespmem:s20], [sflag:$0x1] =	stream.linear.gather [spmem:s19], $0x80, $0x38;
	[tilespmem:$0x16000] =	vst v63  }
0xa2: {  	s19 =	sadd.s32 $0xD80, s17;
	s20 =	sor.u32 $0x3B00, s16  }
0xa3: {  	[tilespmem:s20], [sflag:$0x1] =	stream.linear.gather [spmem:s19], $0x80, $0x38;
	[tilespmem:$0x16000] =	vst v63  }
0xa4: {  	s19 =	sadd.s32 $0xE00, s17;
	s20 =	sor.u32 $0x3C00, s16  }
0xa5: {  	[tilespmem:s20], [sflag:$0x1] =	stream.linear.gather [spmem:s19], $0x80, $0x38;
	[tilespmem:$0x16000] =	vst v63  }
0xa6: {  	p2 =	slt.u32 s14, $0x2;
	s19 =	sadd.s32 $0xE80, s17;
	s20 =	sor.u32 $0x3D00, s16  }
0xa7: {  	[tilespmem:s20], [sflag:$0x1] =	stream.linear.gather [spmem:s19], $0x80, $0x38;
	[tilespmem:$0x16000] =	vst v63  }
.Ltmp1:
0xa8: {  	_ = 	snop;
	(pc) =	sbr.rel @p2 .LBB2_5-.Ltmp1, $4  }
0xa9: {  	s19 =	sadd.s32 $0xF00, s17;
	s20 =	sor.u32 $0x3E00, s16  }
0xaa: {  	[tilespmem:s20], [sflag:$0x1] =	stream.linear.gather [spmem:s19], $0x80, $0x38;
	[tilespmem:$0x16000] =	vst v63  }
0xab: {  	s17 =	sadd.s32 $0xF80, s17;
	s16 =	sor.u32 $0x3F00, s16  }
0xac: {  	[tilespmem:s16], [sflag:$0x1] =	stream.linear.gather [spmem:s17], $0x80, $0x38;
	[tilespmem:$0x16000] =	vst v63  }
.LBB2_4:
0xad: {  	_ =	swait.ge [sflag:s12], $0x8000  }
0xae: {  	[sflag:s12] =	ssyncset.done $0x0  }
0xaf: {  	[sflag:s12] =	ssyncadd.s32 $0xFFFF8000  }
.LBB2_5:
0xb0: {  	s16 =	simm.s32 $0x1  }
0xb1: {  	s16 =	simm.s32 @!p1 $0x0  }
0xb2: {  	s17 =	sshll.u32 s16, $0x7  }
0xb3: {  	s18 =	sor.u32 $0x2040, s17  }
0xb4: {  	v0 =	vld [tilespmem:s18+$0x30];
	_ =	sdelay $0x2  }
0xb5: {  	v1 =	vld [tilespmem:s18+$0xFFFFFFD0]  }
0xb6: {  	v3 =	vld [tilespmem:s18+$0xFFFFFFE0]  }
0xb7: {  	v4 =	vld [tilespmem:s18+$0xFFFFFFC0];
	v2 =	vshll.u32 v0, $0x3  }
0xb8: {  	v6 =	vld [tilespmem:s18+$0xFFFFFFF0];
	v0 =	vand.u32 $0x7F, v0;
	v2 =	vand.u32 $0xFFFFFC00, v2  }
0xb9: {  	v5 =	vor.u32 v0, v2  }
0xba: {  	v0 =	vshll.u32 v1, $0x3  }
0xbb: {  	v8 =	vld [tilespmem:s18+$0x10];
	v2 =	vand.u32 $0xFFFFFC00, v0;
	v0 =	vshll.u32 v3, $0x3  }
0xbc: {  	v7 =	vld [tilespmem:s18+$0x0];
	v9 =	vand.u32 $0xFFFFFC00, v0;
	v0 =	vshll.u32 v4, $0x3  }
0xbd: {  	v12 =	vld [tilespmem:s18+$0x20];
	v13 =	vshll.u32 v6, $0x3;
	v4 =	vand.u32 $0x7F, v4;
	v0 =	vand.u32 $0xFFFFFC00, v0  }
0xbe: {  	v6 =	vand.u32 $0x7F, v6;
	v1 =	vand.u32 $0x7F, v1;
	v0 =	vor.u32 v4, v0;
	v10 =	vld.idx.msk [tilespmem:v5+s3+$0x0], $0xffff  }
0xbf: {  	v11 =	vor.u32 $0x80, v5;
	v3 =	vand.u32 $0x7F, v3;
	v2 =	vor.u32 v1, v2  }
0xc0: {  	v1 =	vor.u32 v3, v9;
	v9 =	vshll.u32 v8, $0x3;
	v4 =	vand.u32 $0xFFFFFC00, v13  }
0xc1: {  	s16 =	sshll.u32 s16, $0xF;
	v8 =	vand.u32 $0x7F, v8;
	v13 =	vshll.u32 v7, $0x3;
	v3 =	vor.u32 v6, v4  }
0xc2: {  	s16 =	sor.u32 $0x4200, s16;
	v7 =	vand.u32 $0x7F, v7;
	v13 =	vand.u32 $0xFFFFFC00, v13;
	v6 =	vand.u32 $0xFFFFFC00, v9  }
0xc3: {  	v9 =	vshll.u32 v12, $0x3;
	v4 =	vor.u32 v7, v13;
	[tilespmem:s16+$0xFFFFFE70] =	vst v10;
	v10 =	vor.u32 v8, v6;
	v6 =	vld.idx.msk [tilespmem:v0+s3+$0x0], $0xffff  }
0xc4: {  	v8 =	vand.u32 $0xFFFFFC00, v9;
	v9 =	vand.u32 $0x7F, v12;
	v12 =	vld.idx.msk [tilespmem:v2+s3+$0x0], $0xffff  }
0xc5: {  	v7 =	vld.idx.msk [tilespmem:v11+s3+$0x0], $0xffff;
	v11 =	vor.u32 v9, v8  }
0xc6: {  	v14 =	vld.idx.msk [tilespmem:v3+s3+$0x0], $0xffff;
	v9 =	vor.u32 $0x80, v0  }
0xc7: {  	v13 =	vor.u32 $0x100, v5;
	v8 =	vld.idx.msk [tilespmem:v1+s3+$0x0], $0xffff  }
0xc8: {  	v15 =	vor.u32 $0x80, v2;
	v16 =	vld.idx.msk [tilespmem:v4+s3+$0x0], $0xffff;
	[tilespmem:s16+$0xFFFFFE00] =	vst v6  }
0xc9: {  	v17 =	vor.u32 $0x80, v1;
	v18 =	vld.idx.msk [tilespmem:v10+s3+$0x0], $0xffff;
	[tilespmem:s16+$0xFFFFFE10] =	vst v12  }
0xca: {  	[tilespmem:s16+$0xFFFFFEF0] =	vst v7;
	v7 =	vor.u32 $0x80, v3;
	v12 =	vld.idx.msk [tilespmem:v11+s3+$0x0], $0xffff  }
0xcb: {  	v19 =	vor.u32 $0x80, v10;
	[tilespmem:s16+$0xFFFFFE30] =	vst v14;
	v9 =	vld.idx.msk [tilespmem:v9+s3+$0x0], $0xffff  }
0xcc: {  	[tilespmem:s16+$0xFFFFFE20] =	vst v8;
	v6 =	vld.idx.msk [tilespmem:v13+s3+$0x0], $0xffff;
	v13 =	vor.u32 $0x80, v4  }
0xcd: {  	v14 =	vor.u32 $0x80, v11;
	v15 =	vld.idx.msk [tilespmem:v15+s3+$0x0], $0xffff;
	[tilespmem:s16+$0xFFFFFE40] =	vst v16  }
0xce: {  	v8 =	vor.u32 $0x180, v5;
	v17 =	vld.idx.msk [tilespmem:v17+s3+$0x0], $0xffff;
	[tilespmem:s16+$0xFFFFFE50] =	vst v18  }
0xcf: {  	v16 =	vor.u32 $0x100, v0;
	v7 =	vld.idx.msk [tilespmem:v7+s3+$0x0], $0xffff;
	[tilespmem:s16+$0xFFFFFE60] =	vst v12  }
0xd0: {  	v18 =	vor.u32 $0x100, v2;
	[tilespmem:s16+$0xFFFFFE80] =	vst v9;
	v9 =	vld.idx.msk [tilespmem:v19+s3+$0x0], $0xffff  }
0xd1: {  	v13 =	vld.idx.msk [tilespmem:v13+s3+$0x0], $0xffff;
	[tilespmem:s16+$0xFFFFFF70] =	vst v6;
	v6 =	vor.u32 $0x100, v1  }
0xd2: {  	v12 =	vor.u32 $0x100, v3;
	[tilespmem:s16+$0xFFFFFE90] =	vst v15;
	v14 =	vld.idx.msk [tilespmem:v14+s3+$0x0], $0xffff  }
0xd3: {  	[tilespmem:s16+$0xFFFFFEA0] =	vst v17;
	v17 =	vor.u32 $0x100, v10;
	v8 =	vld.idx.msk [tilespmem:v8+s3+$0x0], $0xffff  }
0xd4: {  	v19 =	vor.u32 $0x100, v4;
	v16 =	vld.idx.msk [tilespmem:v16+s3+$0x0], $0xffff;
	[tilespmem:s16+$0xFFFFFEB0] =	vst v7  }
0xd5: {  	v15 =	vor.u32 $0x200, v5;
	v18 =	vld.idx.msk [tilespmem:v18+s3+$0x0], $0xffff;
	[tilespmem:s16+$0xFFFFFED0] =	vst v9  }
0xd6: {  	v7 =	vor.u32 $0x100, v11;
	v6 =	vld.idx.msk [tilespmem:v6+s3+$0x0], $0xffff;
	[tilespmem:s16+$0xFFFFFEC0] =	vst v13  }
0xd7: {  	v13 =	vor.u32 $0x180, v0;
	v12 =	vld.idx.msk [tilespmem:v12+s3+$0x0], $0xffff;
	[tilespmem:s16+$0xFFFFFEE0] =	vst v14  }
0xd8: {  	v14 =	vld.idx.msk [tilespmem:v17+s3+$0x0], $0xffff;
	[tilespmem:s16+$0xFFFFFFF0] =	vst v8;
	v8 =	vor.u32 $0x180, v2  }
0xd9: {  	v17 =	vor.u32 $0x180, v3;
	v19 =	vld.idx.msk [tilespmem:v19+s3+$0x0], $0xffff  }
0xda: {  	[tilespmem:s16+$0xFFFFFF00] =	vst v16;
	v9 =	vld.idx.msk [tilespmem:v15+s3+$0x0], $0xffff;
	v15 =	vor.u32 $0x180, v1  }
0xdb: {  	v16 =	vor.u32 $0x280, v5;
	[tilespmem:s16+$0xFFFFFF10] =	vst v18;
	v7 =	vld.idx.msk [tilespmem:v7+s3+$0x0], $0xffff  }
0xdc: {  	v18 =	vor.u32 $0x180, v4;
	v13 =	vld.idx.msk [tilespmem:v13+s3+$0x0], $0xffff;
	[tilespmem:s16+$0xFFFFFF20] =	vst v6  }
0xdd: {  	v6 =	vor.u32 $0x180, v10;
	[tilespmem:s16+$0xFFFFFF30] =	vst v12;
	v8 =	vld.idx.msk [tilespmem:v8+s3+$0x0], $0xffff  }
0xde: {  	v12 =	vor.u32 $0x180, v11;
	[tilespmem:s16+$0xFFFFFF50] =	vst v14;
	v17 =	vld.idx.msk [tilespmem:v17+s3+$0x0], $0xffff  }
0xdf: {  	v15 =	vld.idx.msk [tilespmem:v15+s3+$0x0], $0xffff;
	[tilespmem:s16+$0x70] =	vst v9;
	v9 =	vor.u32 $0x200, v0  }
0xe0: {  	[tilespmem:s16+$0xFFFFFF40] =	vst v19;
	v19 =	vor.u32 $0x200, v2;
	v16 =	vld.idx.msk [tilespmem:v16+s3+$0x0], $0xffff  }
0xe1: {  	v14 =	vld.idx.msk [tilespmem:v18+s3+$0x0], $0xffff;
	v18 =	vor.u32 $0x200, v1;
	[tilespmem:s16+$0xFFFFFF60] =	vst v7  }
0xe2: {  	v7 =	vor.u32 $0x300, v5;
	[tilespmem:s16+$0xFFFFFF80] =	vst v13;
	v6 =	vld.idx.msk [tilespmem:v6+s3+$0x0], $0xffff  }
0xe3: {  	v13 =	vor.u32 $0x200, v3;
	[tilespmem:s16+$0xFFFFFF90] =	vst v8;
	v8 =	vld.idx.msk [tilespmem:v12+s3+$0x0], $0xffff  }
0xe4: {  	v12 =	vor.u32 $0x200, v4;
	[tilespmem:s16+$0xFFFFFFB0] =	vst v17;
	v9 =	vld.idx.msk [tilespmem:v9+s3+$0x0], $0xffff  }
0xe5: {  	[tilespmem:s16+$0xFFFFFFA0] =	vst v15;
	v15 =	vor.u32 $0x200, v10;
	v19 =	vld.idx.msk [tilespmem:v19+s3+$0x0], $0xffff  }
0xe6: {  	[tilespmem:s16+$0xF0] =	vst v16;
	v16 =	vor.u32 $0x200, v11;
	v18 =	vld.idx.msk [tilespmem:v18+s3+$0x0], $0xffff  }
0xe7: {  	v17 =	vor.u32 $0x280, v0;
	[tilespmem:s16+$0xFFFFFFC0] =	vst v14;
	v7 =	vld.idx.msk [tilespmem:v7+s3+$0x0], $0xffff  }
0xe8: {  	v5 =	vor.u32 $0x380, v5;
	v13 =	vld.idx.msk [tilespmem:v13+s3+$0x0], $0xffff;
	[tilespmem:s16+$0xFFFFFFD0] =	vst v6  }
0xe9: {  	v6 =	vor.u32 $0x280, v2;
	v12 =	vld.idx.msk [tilespmem:v12+s3+$0x0], $0xffff;
	[tilespmem:s16+$0xFFFFFFE0] =	vst v8  }
0xea: {  	v8 =	vor.u32 $0x280, v1;
	[tilespmem:s16+$0x0] =	vst v9;
	v9 =	vld.idx.msk [tilespmem:v15+s3+$0x0], $0xffff  }
0xeb: {  	v14 =	vor.u32 $0x280, v3;
	[tilespmem:s16+$0x10] =	vst v19;
	v15 =	vld.idx.msk [tilespmem:v16+s3+$0x0], $0xffff  }
0xec: {  	v16 =	vor.u32 $0x280, v4;
	v17 =	vld.idx.msk [tilespmem:v17+s3+$0x0], $0xffff;
	[tilespmem:s16+$0x170] =	vst v7  }
0xed: {  	[tilespmem:s16+$0x20] =	vst v18;
	v7 =	vor.u32 $0x280, v10;
	v5 =	vld.idx.msk [tilespmem:v5+s3+$0x0], $0xffff  }
0xee: {  	v18 =	vor.u32 $0x280, v11;
	v6 =	vld.idx.msk [tilespmem:v6+s3+$0x0], $0xffff;
	[tilespmem:s16+$0x30] =	vst v13  }
0xef: {  	v13 =	vor.u32 $0x300, v0;
	v8 =	vld.idx.msk [tilespmem:v8+s3+$0x0], $0xffff;
	[tilespmem:s16+$0x40] =	vst v12  }
0xf0: {  	v12 =	vor.u32 $0x300, v2;
	v19 =	vld.idx.msk [tilespmem:v14+s3+$0x0], $0xffff;
	[tilespmem:s16+$0x50] =	vst v9  }
0xf1: {  	v9 =	vor.u32 $0x300, v1;
	v20 =	vld.idx.msk [tilespmem:v16+s3+$0x0], $0xffff;
	[tilespmem:s16+$0x60] =	vst v15  }
0xf2: {  	v21 =	vor.u32 $0x300, v3;
	[tilespmem:s16+$0x80] =	vst v17;
	v17 =	vld.idx.msk [tilespmem:v7+s3+$0x0], $0xffff  }
0xf3: {  	v22 =	vor.u32 $0x300, v4;
	v15 =	vld.idx.msk [tilespmem:v18+s3+$0x0], $0xffff;
	[tilespmem:s16+$0x1F0] =	vst v5  }
0xf4: {  	v14 =	vld.idx.msk [tilespmem:v13+s3+$0x0], $0xffff;
	[tilespmem:s16+$0x90] =	vst v6  }
0xf5: {  	v13 =	vld.idx.msk [tilespmem:v12+s3+$0x0], $0xffff;
	[tilespmem:s16+$0xA0] =	vst v8  }
0xf6: {  	s20 =	sshll.u32 s14, $0xF;
	v3 =	vor.u32 $0x380, v3;
	v7 =	vor.u32 $0x380, v0;
	v0 =	vor.u32 $0x380, v11;
	[tilespmem:s16+$0xB0] =	vst v19;
	v16 =	vld.idx.msk [tilespmem:v9+s3+$0x0], $0xffff  }
0xf7: {  	s19 =	simm.s32 $0x0;
	s17 =	sand.u32 $0x8000, s20;
	v6 =	vor.u32 $0x380, v2;
	v5 =	vor.u32 $0x380, v1;
	v2 =	vor.u32 $0x380, v4;
	v12 =	vld.idx.msk [tilespmem:v21+s3+$0x0], $0xffff;
	[tilespmem:s16+$0xC0] =	vst v20  }
0xf8: {  	s17 =	sor.u32 $0x4000, s17;
	s20 =	sadd.s32 $0x100, s18;
	s18 =	smov.u32 s16;
	v1 =	vor.u32 $0x380, v10;
	v8 =	vor.u32 $0x300, v10;
	v9 =	vor.u32 $0x300, v11;
	v4 =	vld.idx.msk [tilespmem:v22+s3+$0x0], $0xffff;
	[tilespmem:s16+$0xD0] =	vst v17  }
.LBB2_6:
0xf9: {  	v10 =	vld [tilespmem:s20+$0x30];
	s19 =	sadd.s32 $0x8, s19;
	[tilespmem:s16+$0xE0] =	vst v15  }
0xfa: {  	v11 =	vld [tilespmem:s20+$0xFFFFFFD0];
	p2 =	slt.u32 s19, $0xF8;
	[tilespmem:s16+$0x100] =	vst v14  }
0xfb: {  	v14 =	vld [tilespmem:s20+$0xFFFFFFE0];
	[tilespmem:s16+$0x110] =	vst v13  }
0xfc: {  	v13 =	vld [tilespmem:s20+$0xFFFFFFF0];
	[tilespmem:s16+$0x120] =	vst v16  }
0xfd: {  	v15 =	vld [tilespmem:s20+$0x0];
	[tilespmem:s16+$0x130] =	vst v12  }
0xfe: {  	v12 =	vld [tilespmem:s20+$0x10];
	v16 =	vshll.u32 v10, $0x3;
	[tilespmem:s16+$0x140] =	vst v4  }
0xff: {  	v10 =	vand.u32 $0x7F, v10;
	v4 =	vshll.u32 v11, $0x3;
	v17 =	vld [tilespmem:s20+$0x20];
	v16 =	vand.u32 $0xFFFFFC00, v16  }
0x100: {  	v18 =	vld [tilespmem:s20+$0xFFFFFFC0];
	v19 =	vand.u32 $0xFFFFFC00, v4;
	v20 =	vshll.u32 v14, $0x3;
	v4 =	vor.u32 v10, v16  }
0x101: {  	v10 =	vand.u32 $0x7F, v11;
	v11 =	vand.u32 $0xFFFFFC00, v20;
	v16 =	vshll.u32 v13, $0x3;
	v8 =	vld.idx.msk [tilespmem:v8+s3+$0x0], $0xffff  }
0x102: {  	v14 =	vand.u32 $0x7F, v14;
	v16 =	vand.u32 $0xFFFFFC00, v16;
	v20 =	vshll.u32 v15, $0x3;
	v9 =	vld.idx.msk [tilespmem:v9+s3+$0x0], $0xffff  }
0x103: {  	v13 =	vand.u32 $0x7F, v13;
	v20 =	vand.u32 $0xFFFFFC00, v20;
	v21 =	vshll.u32 v12, $0x3;
	v7 =	vld.idx.msk [tilespmem:v7+s3+$0x0], $0xffff  }
0x104: {  	v15 =	vand.u32 $0x7F, v15;
	v21 =	vand.u32 $0xFFFFFC00, v21;
	v22 =	vshll.u32 v17, $0x3;
	v6 =	vld.idx.msk [tilespmem:v6+s3+$0x0], $0xffff  }
0x105: {  	v23 =	vand.u32 $0x7F, v18;
	v18 =	vshll.u32 v18, $0x3;
	v22 =	vand.u32 $0xFFFFFC00, v22;
	v24 =	vld.idx.msk [tilespmem:v4+s3+$0x0], $0xffff  }
0x106: {  	v12 =	vand.u32 $0x7F, v12;
	v17 =	vand.u32 $0x7F, v17;
	v18 =	vand.u32 $0xFFFFFC00, v18;
	v5 =	vld.idx.msk [tilespmem:v5+s3+$0x0], $0xffff  }
0x107: {  	v25 =	vor.u32 v10, v19;
	v10 =	vor.u32 $0x80, v4;
	v23 =	vor.u32 v23, v18;
	v3 =	vld.idx.msk [tilespmem:v3+s3+$0x0], $0xffff;
	[tilespmem:s16+$0x150] =	vst v8  }
0x108: {  	v26 =	vor.u32 v14, v11;
	v27 =	vor.u32 v13, v16;
	v28 =	vor.u32 v15, v20;
	[tilespmem:s16+$0x160] =	vst v9  }
0x109: {  	v21 =	vor.u32 v12, v21;
	v22 =	vor.u32 v17, v22;
	v8 =	vor.u32 $0x80, v23;
	[tilespmem:s16+$0x180] =	vst v7;
	v2 =	vld.idx.msk [tilespmem:v2+s3+$0x0], $0xffff  }
0x10a: {  	v29 =	vor.u32 $0x80, v27;
	v9 =	vor.u32 $0x80, v26;
	v7 =	vor.u32 $0x80, v25;
	s16 =	sadd.s32 $0x400, s16;
	[tilespmem:s18+$0x190] =	vst v6;
	v1 =	vld.idx.msk [tilespmem:v1+s3+$0x0], $0xffff  }
0x10b: {  	v30 =	vor.u32 $0x80, v28;
	v31 =	vor.u32 $0x80, v21;
	v32 =	vor.u32 $0x80, v22;
	[tilespmem:s16+$0xFFFFFE70] =	vst v24;
	v0 =	vld.idx.msk [tilespmem:v0+s3+$0x0], $0xffff  }
0x10c: {  	v33 =	vor.u32 $0x100, v25;
	v34 =	vor.u32 $0x100, v26;
	v24 =	vor.u32 $0x100, v23;
	v6 =	vld.idx.msk [tilespmem:v10+s3+$0x0], $0xffff;
	[tilespmem:s18+$0x1A0] =	vst v5  }
0x10d: {  	v35 =	vor.u32 $0x100, v27;
	v36 =	vor.u32 $0x100, v28;
	v37 =	vor.u32 $0x100, v21;
	v5 =	vld.idx.msk [tilespmem:v23+s3+$0x0], $0xffff;
	[tilespmem:s18+$0x1B0] =	vst v3  }
0x10e: {  	v39 =	vor.u32 $0x100, v22;
	v38 =	vor.u32 $0x180, v23;
	v10 =	vor.u32 $0x100, v4;
	v3 =	vld.idx.msk [tilespmem:v25+s3+$0x0], $0xffff  }
0x10f: {  	v40 =	vor.u32 $0x180, v25;
	v41 =	vor.u32 $0x180, v26;
	v42 =	vor.u32 $0x180, v27;
	v11 =	vld.idx.msk [tilespmem:v26+s3+$0x0], $0xffff;
	[tilespmem:s18+$0x1C0] =	vst v2  }
0x110: {  	v43 =	vor.u32 $0x180, v28;
	v44 =	vor.u32 $0x180, v21;
	v45 =	vor.u32 $0x180, v22;
	v2 =	vld.idx.msk [tilespmem:v27+s3+$0x0], $0xffff;
	[tilespmem:s18+$0x1D0] =	vst v1  }
0x111: {  	v47 =	vor.u32 $0x200, v25;
	v48 =	vor.u32 $0x200, v26;
	v46 =	vor.u32 $0x200, v23;
	v1 =	vld.idx.msk [tilespmem:v28+s3+$0x0], $0xffff;
	[tilespmem:s18+$0x1E0] =	vst v0;
	s18 =	smov.u32 s16  }
0x112: {  	v49 =	vor.u32 $0x200, v27;
	v50 =	vor.u32 $0x200, v28;
	v51 =	vor.u32 $0x200, v21;
	v0 =	vld.idx.msk [tilespmem:v21+s3+$0x0], $0xffff;
	[tilespmem:s16+$0xFFFFFEF0] =	vst v6  }
0x113: {  	v18 =	vor.u32 $0x280, v25;
	v53 =	vor.u32 $0x200, v22;
	v52 =	vor.u32 $0x280, v23;
	[tilespmem:s16+$0xFFFFFE00] =	vst v5;
	v54 =	vld.idx.msk [tilespmem:v10+s3+$0x0], $0xffff  }
0x114: {  	v20 =	vor.u32 $0x280, v26;
	v19 =	vor.u32 $0x280, v27;
	v15 =	vor.u32 $0x280, v28;
	[tilespmem:s16+$0xFFFFFE10] =	vst v3;
	v55 =	vld.idx.msk [tilespmem:v22+s3+$0x0], $0xffff  }
0x115: {  	v57 =	vor.u32 $0x180, v4;
	v17 =	vor.u32 $0x280, v21;
	v16 =	vor.u32 $0x280, v22;
	v56 =	vld.idx.msk [tilespmem:v8+s3+$0x0], $0xffff;
	[tilespmem:s16+$0xFFFFFE20] =	vst v11  }
0x116: {  	v13 =	vor.u32 $0x300, v25;
	v14 =	vor.u32 $0x300, v23;
	v10 =	vor.u32 $0x300, v26;
	v58 =	vld.idx.msk [tilespmem:v7+s3+$0x0], $0xffff;
	[tilespmem:s16+$0xFFFFFE30] =	vst v2  }
0x117: {  	v12 =	vor.u32 $0x300, v27;
	v11 =	vor.u32 $0x300, v28;
	v8 =	vor.u32 $0x300, v21;
	v59 =	vld.idx.msk [tilespmem:v9+s3+$0x0], $0xffff;
	[tilespmem:s16+$0xFFFFFE40] =	vst v1  }
0x118: {  	v6 =	vor.u32 $0x380, v25;
	v7 =	vor.u32 $0x380, v23;
	v9 =	vor.u32 $0x300, v22;
	v23 =	vld.idx.msk [tilespmem:v29+s3+$0x0], $0xffff;
	[tilespmem:s16+$0xFFFFFE50] =	vst v0  }
0x119: {  	v5 =	vor.u32 $0x380, v26;
	v3 =	vor.u32 $0x380, v27;
	v2 =	vor.u32 $0x380, v28;
	v25 =	vld.idx.msk [tilespmem:v30+s3+$0x0], $0xffff;
	[tilespmem:s16+$0xFFFFFF70] =	vst v54  }
0x11a: {  	v1 =	vor.u32 $0x380, v21;
	v0 =	vor.u32 $0x380, v22;
	[tilespmem:s16+$0xFFFFFE60] =	vst v55;
	v21 =	vld.idx.msk [tilespmem:v57+s3+$0x0], $0xffff  }
0x11b: {  	[tilespmem:s16+$0xFFFFFE80] =	vst v56;
	v22 =	vld.idx.msk [tilespmem:v31+s3+$0x0], $0xffff  }
0x11c: {  	v27 =	vor.u32 $0x200, v4;
	[tilespmem:s16+$0xFFFFFE90] =	vst v58;
	v26 =	vld.idx.msk [tilespmem:v32+s3+$0x0], $0xffff  }
0x11d: {  	v24 =	vld.idx.msk [tilespmem:v24+s3+$0x0], $0xffff;
	[tilespmem:s16+$0xFFFFFEA0] =	vst v59  }
0x11e: {  	v28 =	vld.idx.msk [tilespmem:v33+s3+$0x0], $0xffff;
	[tilespmem:s16+$0xFFFFFEB0] =	vst v23  }
0x11f: {  	v23 =	vld.idx.msk [tilespmem:v34+s3+$0x0], $0xffff;
	[tilespmem:s16+$0xFFFFFEC0] =	vst v25  }
0x120: {  	v25 =	vld.idx.msk [tilespmem:v35+s3+$0x0], $0xffff;
	[tilespmem:s16+$0xFFFFFFF0] =	vst v21  }
0x121: {  	[tilespmem:s16+$0xFFFFFED0] =	vst v22;
	v21 =	vld.idx.msk [tilespmem:v27+s3+$0x0], $0xffff  }
0x122: {  	v22 =	vld.idx.msk [tilespmem:v36+s3+$0x0], $0xffff;
	[tilespmem:s16+$0xFFFFFEE0] =	vst v26  }
0x123: {  	v26 =	vor.u32 $0x280, v4;
	[tilespmem:s16+$0xFFFFFF00] =	vst v24;
	v24 =	vld.idx.msk [tilespmem:v37+s3+$0x0], $0xffff  }
0x124: {  	[tilespmem:s16+$0xFFFFFF10] =	vst v28;
	v27 =	vld.idx.msk [tilespmem:v39+s3+$0x0], $0xffff  }
0x125: {  	v28 =	vld.idx.msk [tilespmem:v38+s3+$0x0], $0xffff;
	[tilespmem:s16+$0xFFFFFF20] =	vst v23  }
0x126: {  	v23 =	vld.idx.msk [tilespmem:v40+s3+$0x0], $0xffff;
	[tilespmem:s16+$0xFFFFFF30] =	vst v25  }
0x127: {  	v25 =	vld.idx.msk [tilespmem:v41+s3+$0x0], $0xffff;
	[tilespmem:s16+$0x70] =	vst v21  }
0x128: {  	[tilespmem:s16+$0xFFFFFF40] =	vst v22;
	v21 =	vld.idx.msk [tilespmem:v26+s3+$0x0], $0xffff  }
0x129: {  	v22 =	vld.idx.msk [tilespmem:v42+s3+$0x0], $0xffff;
	[tilespmem:s16+$0xFFFFFF50] =	vst v24  }
0x12a: {  	v26 =	vor.u32 $0x300, v4;
	v24 =	vld.idx.msk [tilespmem:v43+s3+$0x0], $0xffff;
	[tilespmem:s16+$0xFFFFFF60] =	vst v27  }
0x12b: {  	[tilespmem:s16+$0xFFFFFF80] =	vst v28;
	v27 =	vld.idx.msk [tilespmem:v44+s3+$0x0], $0xffff  }
0x12c: {  	[tilespmem:s16+$0xFFFFFF90] =	vst v23;
	v23 =	vld.idx.msk [tilespmem:v45+s3+$0x0], $0xffff  }
0x12d: {  	v28 =	vld.idx.msk [tilespmem:v46+s3+$0x0], $0xffff;
	[tilespmem:s16+$0xFFFFFFA0] =	vst v25  }
0x12e: {  	v25 =	vld.idx.msk [tilespmem:v47+s3+$0x0], $0xffff;
	[tilespmem:s16+$0xF0] =	vst v21  }
0x12f: {  	[tilespmem:s16+$0xFFFFFFB0] =	vst v22;
	v21 =	vld.idx.msk [tilespmem:v26+s3+$0x0], $0xffff  }
0x130: {  	v22 =	vld.idx.msk [tilespmem:v48+s3+$0x0], $0xffff;
	[tilespmem:s16+$0xFFFFFFC0] =	vst v24  }
0x131: {  	v4 =	vor.u32 $0x380, v4;
	v24 =	vld.idx.msk [tilespmem:v49+s3+$0x0], $0xffff;
	[tilespmem:s16+$0xFFFFFFD0] =	vst v27  }
0x132: {  	v26 =	vld.idx.msk [tilespmem:v50+s3+$0x0], $0xffff;
	[tilespmem:s16+$0xFFFFFFE0] =	vst v23  }
0x133: {  	[tilespmem:s16+$0x0] =	vst v28;
	v23 =	vld.idx.msk [tilespmem:v51+s3+$0x0], $0xffff  }
0x134: {  	[tilespmem:s16+$0x10] =	vst v25;
	v25 =	vld.idx.msk [tilespmem:v53+s3+$0x0], $0xffff  }
0x135: {  	v27 =	vld.idx.msk [tilespmem:v52+s3+$0x0], $0xffff;
	[tilespmem:s16+$0x170] =	vst v21  }
0x136: {  	[tilespmem:s16+$0x20] =	vst v22;
	v4 =	vld.idx.msk [tilespmem:v4+s3+$0x0], $0xffff  }
0x137: {  	v18 =	vld.idx.msk [tilespmem:v18+s3+$0x0], $0xffff;
	[tilespmem:s16+$0x30] =	vst v24  }
0x138: {  	v20 =	vld.idx.msk [tilespmem:v20+s3+$0x0], $0xffff;
	[tilespmem:s16+$0x40] =	vst v26  }
0x139: {  	v19 =	vld.idx.msk [tilespmem:v19+s3+$0x0], $0xffff;
	[tilespmem:s16+$0x50] =	vst v23  }
0x13a: {  	v21 =	vld.idx.msk [tilespmem:v15+s3+$0x0], $0xffff;
	[tilespmem:s16+$0x60] =	vst v25  }
0x13b: {  	[tilespmem:s16+$0x80] =	vst v27;
	v17 =	vld.idx.msk [tilespmem:v17+s3+$0x0], $0xffff  }
0x13c: {  	v15 =	vld.idx.msk [tilespmem:v16+s3+$0x0], $0xffff;
	[tilespmem:s16+$0x1F0] =	vst v4  }
.Ltmp2:
0x13d: {  	v14 =	vld.idx.msk [tilespmem:v14+s3+$0x0], $0xffff;
	[tilespmem:s16+$0x90] =	vst v18;
	(pc) =	sbr.rel @p2 .LBB2_6-.Ltmp2, $4  }
0x13e: {  	v13 =	vld.idx.msk [tilespmem:v13+s3+$0x0], $0xffff;
	[tilespmem:s16+$0xA0] =	vst v20  }
0x13f: {  	v16 =	vld.idx.msk [tilespmem:v10+s3+$0x0], $0xffff;
	[tilespmem:s16+$0xB0] =	vst v19  }
0x140: {  	v12 =	vld.idx.msk [tilespmem:v12+s3+$0x0], $0xffff;
	[tilespmem:s16+$0xC0] =	vst v21  }
0x141: {  	s20 =	sadd.s32 $0x100, s20;
	v4 =	vld.idx.msk [tilespmem:v11+s3+$0x0], $0xffff;
	[tilespmem:s16+$0xD0] =	vst v17  }
0x142: {  	_ =	sdelay $0x2  }
0x143: {  	[tilespmem:s16+$0xE0] =	vst v15  }
0x144: {  	[tilespmem:s16+$0x100] =	vst v14;
	v8 =	vld.idx.msk [tilespmem:v8+s3+$0x0], $0xffff  }
0x145: {  	[tilespmem:s16+$0x110] =	vst v13;
	v9 =	vld.idx.msk [tilespmem:v9+s3+$0x0], $0xffff  }
0x146: {  	v7 =	vld.idx.msk [tilespmem:v7+s3+$0x0], $0xffff;
	[tilespmem:s16+$0x120] =	vst v16  }
0x147: {  	v6 =	vld.idx.msk [tilespmem:v6+s3+$0x0], $0xffff;
	[tilespmem:s16+$0x130] =	vst v12  }
0x148: {  	v63 =	vld.idx.msk [tilespmem:v5+s3+$0x0], $0xffff;
	[tilespmem:s16+$0x140] =	vst v4  }
0x149: {  	v3 =	vld.idx.msk [tilespmem:v3+s3+$0x0], $0xffff;
	[tilespmem:s16+$0x150] =	vst v8  }
0x14a: {  	v2 =	vld.idx.msk [tilespmem:v2+s3+$0x0], $0xffff;
	[tilespmem:s16+$0x160] =	vst v9  }
0x14b: {  	[tilespmem:s16+$0x180] =	vst v7;
	v1 =	vld.idx.msk [tilespmem:v1+s3+$0x0], $0xffff  }
0x14c: {  	[tilespmem:s18+$0x190] =	vst v6;
	v0 =	vld.idx.msk [tilespmem:v0+s3+$0x0], $0xffff  }
0x14d: {  	[tilespmem:s18+$0x1A0] =	vst v63  }
0x14e: {  	p2 =	sne.s32 s15, $0x20;
	[tilespmem:s18+$0x1B0] =	vst v3  }
.Ltmp3:
0x14f: {  	[tilespmem:s18+$0x1C0] =	vst v2;
	(pc) =	sbr.rel @p2 .LBB2_2-.Ltmp3, $4  }
0x150: {  	s14 =	sshll.u32 s14, $0xC;
	[tilespmem:s18+$0x1D0] =	vst v1  }
0x151: {  	s14 =	sadd.s32 s14, s5;
	[tilespmem:s18+$0x1E0] =	vst v0  }
0x152: {  	[hbm4b:s14+s3] =	stream.linear.scatter [tilespmem:s17], [sflag:$0x2], $0x8000, $0x38;
	[tilespmem:$0x16000] =	vst v63  }
0x153: {  	p1 =	por !p1, !p1;
	s14 =	smov.u32 s15  }
0x154: {  	_ =	swait.ge [sflag:s12], $0x8000  }
0x155: {  	[sflag:s12] =	ssyncset.done $0x0  }
0x156: {  	[sflag:s12] =	ssyncadd.s32 $0xFFFF8000  }
0x157: {  	_ =	swait.ge [sflag:s12], $0x8000  }
0x158: {  	s13 =	sadd.s32 $0x1, s13;
	s14 =	rddreg [dreg:$0x6]  }
0x159: {  	p1 =	sne.s32 s13, s14  }
.Ltmp4:
0x15a: {  	_ = 	snop;
	(pc) =	sbr.rel @p1 .LBB2_1-.Ltmp4, $3  }
0x15b: {  	_ =	sdelay $0x1  }
0x15c: {  	[sflag:s12] =	ssyncset.done $0x0  }
0x15d: {  	[sflag:s12] =	ssyncadd.s32 $0xFFFF8000  }
0x15e: {  	_ =	sfence.sel $0x180000  }
0x15f: {  	[bflag:$0x0] =	sbarrier.arrive $0xFFFF  }
0x160: {  	_ =	strace $0x90000047  }
0x161: {  	[bflag:$0x2] =	sbarrier.arrive $0xFFFF  }
0x162: {  	s0 =	rddreg [dreg:$0x4]  }
0x163: {  	s0 =	sadd.s32 @!p0 $0x100000, s0  }
0x164: {  	[sflag:s0] =	ssyncadd.tile.s32 @!p0 $0x1;
	_ =	shalt  }
.Lfunc_end2:
_tile_overlayer_lowered:
.L_overlay_start_2:
0x165: {  	(tag) =	ssettag $0x2  }
0x166: {  	s0 =	rddreg [dreg:$0x0];
	s2 =	stileid.u32  }
0x167: {  	s1 =	rddreg [dreg:$0x1];
	p0 =	sne.s32 s2, $0x0  }
0x168: {  	s3 =	rddreg [dreg:$0x2];
	[bflag:$0x3] =	sbarrier.arrive $0xFFFF;
	s2 =	simm.s32 @!p0 $0x1C03  }
0x169: {  	[timem:s3], [sflag:s2] =	dma.local @!p0 [hbm:s0], s1  }
0x16a: {  	s0 =	simm.s32 @!p0 $0x3  }
0x16b: {  	_ =	swait.ge @!p0 [sflag:s0], s1  }
0x16c: {  	s1 =	ssub.s32 @!p0 $0x0, s1;
	[sflag:s0] =	ssyncset.done @!p0 $0x0  }
0x16d: {  	[sflag:s0] =	ssyncadd.s32 @!p0 s1  }
0x16e: {  	[bflag:$0x3] =	sbarrier.arrive $0xFFFF  }
0x16f: {  	_ =	shalt  }

</sc_bundles>
